<compile_context>
chip_gen: v7x
topology: tpu7x:2x2x1
jax: 0.10.2.dev20260603
libtpu: 0.0.44.dev20260713+nightly
codegen_flags: <defaults>
</compile_context>

<pallas_src>
import functools

import jax
import jax.numpy as jnp
from jax import lax
from jax.experimental import pallas as pl
from jax.experimental.pallas import tpu as pltpu
from jax.experimental.pallas import tpu_sc as plsc

_N = 10000
_E = 320000
_D = 128
_NC = 2
_NS = 16
_NW = _NC * _NS
_GL = 128
_G = _E // _GL
_GBASE = _G // _NW
_GREM = _G % _NW
_NPAD = 10240
_RPT = _NPAD // _NS
_GPP = 26
_NPH = _GBASE // _GPP


def _sc_aggregate(idx2, x):
  mesh = plsc.VectorSubcoreMesh(core_axis_name="c", subcore_axis_name="s")

  @functools.partial(
      pl.kernel,
      out_type=[
          jax.ShapeDtypeStruct((_NC, _NPAD, _D), jnp.float32),
          jax.ShapeDtypeStruct((_NC, _NPAD), jnp.float32),
      ],
      mesh=mesh,
      scratch_types=[
          pltpu.VMEM((2, _GPP, 2, _GL), jnp.int32),
          pltpu.VMEM((_GL, _D), jnp.float32),
          pltpu.VMEM((_GL, _D), jnp.float32),
          pltpu.VMEM((_GL,), jnp.float32),
          pltpu.VMEM_SHARED((_NPAD, _D), jnp.float32),
          pltpu.VMEM_SHARED((_NPAD,), jnp.float32),
          pltpu.SemaphoreType.DMA,
          pltpu.SemaphoreType.DMA,
          pltpu.SemaphoreType.DMA,
          pltpu.SemaphoreType.DMA,
          pltpu.SemaphoreType.DMA,
      ],
  )
  def k(idx_hbm, x_hbm, sup_hbm, deg_hbm,
        idxall, rows0, rows1, ones_v, acc, dacc,
        gsem0, gsem1, ssem, dsem, isem):
    c = lax.axis_index("c")
    s = lax.axis_index("s")
    w = c * _NS + s
    tb = s * _RPT
    w78 = w * _GBASE

    def zbody(r, carry):
      for jj in range(_D // 16):
        rows0[r, pl.ds(jj * 16, 16)] = jnp.zeros((16,), jnp.float32)
      return carry

    lax.fori_loop(0, _GL, zbody, 0)
    for r5 in range(_RPT // _GL):
      pltpu.sync_copy(rows0, acc.at[pl.ds(tb + r5 * _GL, _GL)])
      pltpu.sync_copy(rows0.at[0], dacc.at[pl.ds(tb + r5 * _GL, _GL)])
    for j in range(_GL // 16):
      ones_v[pl.ds(j * 16, 16)] = jnp.full((16,), 1.0, jnp.float32)
    plsc.subcore_barrier()

    pltpu.sync_copy(idx_hbm.at[pl.ds(w78, _GPP)], idxall.at[0])
    pltpu.async_copy(x_hbm.at[idxall.at[0, 0, 0]], rows0, gsem0)

    for p in range(_NPH):
      sl = p % 2
      nsl = (p + 1) % 2
      if p + 1 < _NPH:
        pltpu.async_copy(
            idx_hbm.at[pl.ds(w78 + (p + 1) * _GPP, _GPP)], idxall.at[nsl],
            isem)

      def body(i, carry, sl=sl):
        j0 = 2 * i
        j1 = j0 + 1
        pltpu.async_copy(x_hbm.at[idxall.at[sl, j1, 0]], rows1, gsem1)
        pltpu.make_async_copy(
            x_hbm.at[idxall.at[sl, j0, 0]], rows0, gsem0).wait()
        pltpu.async_copy(rows0, acc.at[idxall.at[sl, j0, 1]], ssem, add=True)
        pltpu.async_copy(ones_v, dacc.at[idxall.at[sl, j0, 1]], dsem,
                         add=True)
        pltpu.make_async_copy(
            x_hbm.at[idxall.at[sl, j1, 0]], rows1, gsem1).wait()
        pltpu.make_async_copy(rows0, acc.at[idxall.at[sl, j0, 1]],
                              ssem).wait()

        @pl.when(i < _GPP // 2 - 1)
        def _():
          pltpu.async_copy(x_hbm.at[idxall.at[sl, j0 + 2, 0]], rows0, gsem0)

        pltpu.sync_copy(rows1, acc.at[idxall.at[sl, j1, 1]], add=True)
        pltpu.async_copy(ones_v, dacc.at[idxall.at[sl, j1, 1]], dsem,
                         add=True)
        return carry

      lax.fori_loop(0, _GPP // 2, body, 0)

      def dbody(i, carry, sl=sl):
        pltpu.make_async_copy(ones_v, dacc.at[idxall.at[sl, 0, 1]],
                              dsem).wait()
        return carry

      lax.fori_loop(0, _GPP, dbody, 0)

      if p + 1 < _NPH:
        pltpu.make_async_copy(
            idx_hbm.at[pl.ds(w78 + (p + 1) * _GPP, _GPP)], idxall.at[nsl],
            isem).wait()
        pltpu.async_copy(x_hbm.at[idxall.at[nsl, 0, 0]], rows0, gsem0)

    @pl.when(w < _GREM)
    def _():
      pltpu.sync_copy(idx_hbm.at[pl.ds(_NW * _GBASE + w, 1)],
                      idxall.at[0, pl.ds(0, 1)])
      pltpu.async_copy(x_hbm.at[idxall.at[0, 0, 0]], rows0, gsem0).wait()
      pltpu.sync_copy(rows0, acc.at[idxall.at[0, 0, 1]], add=True)
      pltpu.sync_copy(ones_v, dacc.at[idxall.at[0, 0, 1]], add=True)

    plsc.subcore_barrier()
    pltpu.sync_copy(acc.at[pl.ds(tb, _RPT)], sup_hbm.at[c, pl.ds(tb, _RPT)])
    pltpu.sync_copy(dacc.at[pl.ds(tb, _RPT)], deg_hbm.at[c, pl.ds(tb, _RPT)])

  return k(idx2, x)


_BLK = 2000
_NBLK = _N // _BLK


def _tc_combine(x, sup, deg3, weight, bias):
  def body(x_ref, s0, s1, d0, d1, w_ref, b_ref, o_ref):
    deg = jnp.maximum(d0[0] + d1[0], 1.0)
    sup_blk = (s0[0] + s1[0]) / deg
    o_ref[...] = (
        jnp.dot(x_ref[...], w_ref[0:_D, :], preferred_element_type=jnp.float32)
        + jnp.dot(sup_blk, w_ref[_D:2 * _D, :],
                  preferred_element_type=jnp.float32)
        + b_ref[...]
    )

  return pl.pallas_call(
      body,
      grid=(_NBLK,),
      in_specs=[
          pl.BlockSpec((_BLK, _D), lambda i: (i, 0)),
          pl.BlockSpec((1, _BLK, _D), lambda i: (0, i, 0)),
          pl.BlockSpec((1, _BLK, _D), lambda i: (1, i, 0)),
          pl.BlockSpec((1, _BLK, 1), lambda i: (0, i, 0)),
          pl.BlockSpec((1, _BLK, 1), lambda i: (1, i, 0)),
          pl.BlockSpec((2 * _D, _D), lambda i: (0, 0)),
          pl.BlockSpec((1, _D), lambda i: (0, 0)),
      ],
      out_specs=pl.BlockSpec((_BLK, _D), lambda i: (i, 0)),
      out_shape=jax.ShapeDtypeStruct((_N, _D), jnp.float32),
  )(x, sup, sup, deg3, deg3, weight, bias)


def kernel(x, edge_index, weight, bias):
  ei = edge_index.astype(jnp.int32)
  idx2 = jnp.stack([ei[1].reshape(_G, _GL), ei[0].reshape(_G, _GL)], axis=1)
  sup, deg = _sc_aggregate(idx2, x)
  out = _tc_combine(x, sup, deg[..., None], weight, bias)
  return (out, edge_index)

# --- scband reference (transcript-rebuilt; emitter-appended) ---
"""Pipeline reference for scband-graph-sagelayer-35802847380153 (READ-ONLY COPY).

The authoritative reference and input builder live on the scoring server;
editing this copy changes nothing except your own understanding.
"""

import jax, jax.numpy as jnp
import numpy as np

N = 10000
E = 320000
D_IN = 128
D_OUT = 128


def setup_inputs(seed: int = 0) -> dict:
    key = jax.random.key(seed)
    k1, k2, k3, k4 = jax.random.split(key, 4)
    x = jax.random.normal(k1, (N, D_IN), dtype=jnp.float32)
    edge_index = jax.random.randint(k2, (2, E), 0, N, dtype=jnp.int64)
    # Parameters: weight [2*in_features, out_features] (xavier-normal, gain=0.02), bias [1, out_features] (zeros)
    fan_in, fan_out = 2 * D_IN, D_OUT
    std = 0.02 * float(np.sqrt(2.0 / (fan_in + fan_out)))
    weight = jax.random.normal(k3, (2 * D_IN, D_OUT), dtype=jnp.float32) * std
    bias = jnp.zeros((1, D_OUT), dtype=jnp.float32)
    return {"x": x, "edge_index": edge_index, "weight": weight, "bias": bias}


def reference(x, edge_index, weight, bias):
    # adj is a sparse [N, N] COO matrix with ones at (row, col) = edge_index.
    row = edge_index[0]
    col = edge_index[1]
    n = x.shape[0]
    # support = adj @ x  (scatter-add gather of neighbor features into dst rows)
    support = jax.ops.segment_sum(jnp.take(x, col, axis=0), row, num_segments=n)
    # degree = sparse row-sum of adj
    degree = jax.ops.segment_sum(jnp.ones((edge_index.shape[1],), dtype=x.dtype), row, num_segments=n)
    degree = jnp.maximum(degree, 1.0)  # guard isolated nodes (original code would div-by-zero)
    support = support / degree[:, None]
    # concat self features with mean-aggregated neighbor features
    h = jnp.concatenate([x, support], axis=1)
    out = jnp.matmul(h, weight) + bias
    return (out, edge_index)

if __name__ == "__main__":
    import jax
    _d = setup_inputs()
    print(jax.jit(kernel)(*tuple(_d.values())))

</pallas_src>

<mosaic_0001>
#map = affine_map<(d0, d1) -> (0, 0, 0)>
#map1 = affine_map<(d0, d1) -> (0, 0)>
module attributes {stable_mosaic.version = 14 : i64} {
  func.func @k(%arg0: i32, %arg1: i32, %arg2: memref<2500x2x128xi32, #tpu.memory_space<hbm>>, %arg3: memref<10000x128xf32, #tpu.memory_space<hbm>>, %arg4: memref<2x10240x128xf32, #tpu.memory_space<hbm>>, %arg5: memref<2x10240xf32, #tpu.memory_space<hbm>>, %arg6: memref<2x26x2x128xi32, #tpu.memory_space<vmem>>, %arg7: memref<128x128xf32, #tpu.memory_space<vmem>>, %arg8: memref<128x128xf32, #tpu.memory_space<vmem>>, %arg9: memref<128xf32, #tpu.memory_space<vmem>>, %arg10: memref<10240x128xf32, #tpu.memory_space<vmem_shared>>, %arg11: memref<10240xf32, #tpu.memory_space<vmem_shared>>, %arg12: memref<!tpu.dma_semaphore, #tpu.memory_space<semaphore_mem>>, %arg13: memref<!tpu.dma_semaphore, #tpu.memory_space<semaphore_mem>>, %arg14: memref<!tpu.dma_semaphore, #tpu.memory_space<semaphore_mem>>, %arg15: memref<!tpu.dma_semaphore, #tpu.memory_space<semaphore_mem>>, %arg16: memref<!tpu.dma_semaphore, #tpu.memory_space<semaphore_mem>>) attributes {dimension_semantics = [#tpu.dimension_semantics<core_parallel>, #tpu.dimension_semantics<subcore_parallel>], iteration_bounds = array<i64: 2, 16>, scalar_prefetch = 0 : i64, scratch_operands = 11 : i64, tpu.core_type = #tpu.core_type<sc_vector_subcore>, window_params = [{transform_indices = #map}, {transform_indices = #map1}, {transform_indices = #map}, {transform_indices = #map1}]} {
    %mul3A = arith.constant 16 : i32
    %mul3A_0 = arith.muli %arg0, %mul3A : i32
    %add3A = arith.addi %mul3A_0, %arg1 : i32
    %mul3A_1 = arith.constant 640 : i32
    %mul3A_2 = arith.muli %arg1, %mul3A_1 : i32
    %mul3A_3 = arith.constant 78 : i32
    %mul3A_4 = arith.muli %add3A, %mul3A_3 : i32
    %scan3A = arith.constant 0 : i32
    %scan3A_5 = arith.constant 0 : i32
    %scan3A_6 = arith.constant 128 : i32
    %scan3A_7 = arith.addi %scan3A_5, %scan3A_6 : i32
    %scan3A_8 = arith.constant 1 : i32
    scf.for %scan3A_221 = %scan3A_5 to %scan3A_7 step %scan3A_8  : i32 {
      %broadcast_in_dim3A_222 = arith.constant 0.000000e+00 : f32
      %broadcast_in_dim3A_223 = vector.broadcast %broadcast_in_dim3A_222 : f32 to vector<16xf32>
      %swap3A_224 = arith.index_cast %scan3A_221 : i32 to index
      %swap3A_225 = arith.constant 0 : index
      %swap3A_226 = tpu.vector_load %arg7[%swap3A_224, %swap3A_225] {strides = array<i32>} : memref<128x128xf32, #tpu.memory_space<vmem>>, vector<1x16xf32>,
      %swap3A_227 = vector.shape_cast %swap3A_226 : vector<1x16xf32> to vector<16xf32>
      %swap3A_228 = vector.shape_cast %broadcast_in_dim3A_223 : vector<16xf32> to vector<1x16xf32>
      tpu.vector_store %arg7[%swap3A_224, %swap3A_225], %swap3A_228 {strides = array<i32>} : memref<128x128xf32, #tpu.memory_space<vmem>>, vector<1x16xf32>,
      %broadcast_in_dim3A_229 = arith.constant 0.000000e+00 : f32
      %broadcast_in_dim3A_230 = vector.broadcast %broadcast_in_dim3A_229 : f32 to vector<16xf32>
      %swap3A_231 = arith.index_cast %scan3A_221 : i32 to index
      %swap3A_232 = arith.constant 16 : index
      %swap3A_233 = tpu.vector_load %arg7[%swap3A_231, %swap3A_232] {strides = array<i32>} : memref<128x128xf32, #tpu.memory_space<vmem>>, vector<1x16xf32>,
      %swap3A_234 = vector.shape_cast %swap3A_233 : vector<1x16xf32> to vector<16xf32>
      %swap3A_235 = vector.shape_cast %broadcast_in_dim3A_230 : vector<16xf32> to vector<1x16xf32>
      tpu.vector_store %arg7[%swap3A_231, %swap3A_232], %swap3A_235 {strides = array<i32>} : memref<128x128xf32, #tpu.memory_space<vmem>>, vector<1x16xf32>,
      %broadcast_in_dim3A_236 = arith.constant 0.000000e+00 : f32
      %broadcast_in_dim3A_237 = vector.broadcast %broadcast_in_dim3A_236 : f32 to vector<16xf32>
      %swap3A_238 = arith.index_cast %scan3A_221 : i32 to index
      %swap3A_239 = arith.constant 32 : index
      %swap3A_240 = tpu.vector_load %arg7[%swap3A_238, %swap3A_239] {strides = array<i32>} : memref<128x128xf32, #tpu.memory_space<vmem>>, vector<1x16xf32>,
      %swap3A_241 = vector.shape_cast %swap3A_240 : vector<1x16xf32> to vector<16xf32>
      %swap3A_242 = vector.shape_cast %broadcast_in_dim3A_237 : vector<16xf32> to vector<1x16xf32>
      tpu.vector_store %arg7[%swap3A_238, %swap3A_239], %swap3A_242 {strides = array<i32>} : memref<128x128xf32, #tpu.memory_space<vmem>>, vector<1x16xf32>,
      %broadcast_in_dim3A_243 = arith.constant 0.000000e+00 : f32
      %broadcast_in_dim3A_244 = vector.broadcast %broadcast_in_dim3A_243 : f32 to vector<16xf32>
      %swap3A_245 = arith.index_cast %scan3A_221 : i32 to index
      %swap3A_246 = arith.constant 48 : index
      %swap3A_247 = tpu.vector_load %arg7[%swap3A_245, %swap3A_246] {strides = array<i32>} : memref<128x128xf32, #tpu.memory_space<vmem>>, vector<1x16xf32>,
      %swap3A_248 = vector.shape_cast %swap3A_247 : vector<1x16xf32> to vector<16xf32>
      %swap3A_249 = vector.shape_cast %broadcast_in_dim3A_244 : vector<16xf32> to vector<1x16xf32>
      tpu.vector_store %arg7[%swap3A_245, %swap3A_246], %swap3A_249 {strides = array<i32>} : memref<128x128xf32, #tpu.memory_space<vmem>>, vector<1x16xf32>,
      %broadcast_in_dim3A_250 = arith.constant 0.000000e+00 : f32
      %broadcast_in_dim3A_251 = vector.broadcast %broadcast_in_dim3A_250 : f32 to vector<16xf32>
      %swap3A_252 = arith.index_cast %scan3A_221 : i32 to index
      %swap3A_253 = arith.constant 64 : index
      %swap3A_254 = tpu.vector_load %arg7[%swap3A_252, %swap3A_253] {strides = array<i32>} : memref<128x128xf32, #tpu.memory_space<vmem>>, vector<1x16xf32>,
      %swap3A_255 = vector.shape_cast %swap3A_254 : vector<1x16xf32> to vector<16xf32>
      %swap3A_256 = vector.shape_cast %broadcast_in_dim3A_251 : vector<16xf32> to vector<1x16xf32>
      tpu.vector_store %arg7[%swap3A_252, %swap3A_253], %swap3A_256 {strides = array<i32>} : memref<128x128xf32, #tpu.memory_space<vmem>>, vector<1x16xf32>,
      %broadcast_in_dim3A_257 = arith.constant 0.000000e+00 : f32
      %broadcast_in_dim3A_258 = vector.broadcast %broadcast_in_dim3A_257 : f32 to vector<16xf32>
      %swap3A_259 = arith.index_cast %scan3A_221 : i32 to index
      %swap3A_260 = arith.constant 80 : index
      %swap3A_261 = tpu.vector_load %arg7[%swap3A_259, %swap3A_260] {strides = array<i32>} : memref<128x128xf32, #tpu.memory_space<vmem>>, vector<1x16xf32>,
      %swap3A_262 = vector.shape_cast %swap3A_261 : vector<1x16xf32> to vector<16xf32>
      %swap3A_263 = vector.shape_cast %broadcast_in_dim3A_258 : vector<16xf32> to vector<1x16xf32>
      tpu.vector_store %arg7[%swap3A_259, %swap3A_260], %swap3A_263 {strides = array<i32>} : memref<128x128xf32, #tpu.memory_space<vmem>>, vector<1x16xf32>,
      %broadcast_in_dim3A_264 = arith.constant 0.000000e+00 : f32
      %broadcast_in_dim3A_265 = vector.broadcast %broadcast_in_dim3A_264 : f32 to vector<16xf32>
      %swap3A_266 = arith.index_cast %scan3A_221 : i32 to index
      %swap3A_267 = arith.constant 96 : index
      %swap3A_268 = tpu.vector_load %arg7[%swap3A_266, %swap3A_267] {strides = array<i32>} : memref<128x128xf32, #tpu.memory_space<vmem>>, vector<1x16xf32>,
      %swap3A_269 = vector.shape_cast %swap3A_268 : vector<1x16xf32> to vector<16xf32>
      %swap3A_270 = vector.shape_cast %broadcast_in_dim3A_265 : vector<16xf32> to vector<1x16xf32>
      tpu.vector_store %arg7[%swap3A_266, %swap3A_267], %swap3A_270 {strides = array<i32>} : memref<128x128xf32, #tpu.memory_space<vmem>>, vector<1x16xf32>,
      %broadcast_in_dim3A_271 = arith.constant 0.000000e+00 : f32
      %broadcast_in_dim3A_272 = vector.broadcast %broadcast_in_dim3A_271 : f32 to vector<16xf32>
      %swap3A_273 = arith.index_cast %scan3A_221 : i32 to index
      %swap3A_274 = arith.constant 112 : index
      %swap3A_275 = tpu.vector_load %arg7[%swap3A_273, %swap3A_274] {strides = array<i32>} : memref<128x128xf32, #tpu.memory_space<vmem>>, vector<1x16xf32>,
      %swap3A_276 = vector.shape_cast %swap3A_275 : vector<1x16xf32> to vector<16xf32>
      %swap3A_277 = vector.shape_cast %broadcast_in_dim3A_272 : vector<16xf32> to vector<1x16xf32>
      tpu.vector_store %arg7[%swap3A_273, %swap3A_274], %swap3A_277 {strides = array<i32>} : memref<128x128xf32, #tpu.memory_space<vmem>>, vector<1x16xf32>,
    }
    %scan3A_9 = arith.constant 128 : i32
    %add3A_10 = arith.constant 0 : i32
    %add3A_11 = arith.addi %mul3A_2, %add3A_10 : i32
    "tpu.region"() ({
      %run_scoped3A_221 = tpu.sem_alloc : memref<!tpu.dma_semaphore, #tpu.memory_space<semaphore_mem>>
      %dma_start3A_222 = arith.constant 0 : i32
      %dma_start3A_223 = tpu.memref_slice %arg10[%add3A_11, %dma_start3A_222] : memref<10240x128xf32, #tpu.memory_space<vmem_shared>> -> memref<128x128xf32, #tpu.memory_space<vmem_shared>>
      %dma_start3A_224 = arith.constant 0 : i32
      %dma_start3A_225 = tpu.memref_slice %arg10[%add3A_11, %dma_start3A_224] : memref<10240x128xf32, #tpu.memory_space<vmem_shared>> -> memref<128x128xf32, #tpu.memory_space<vmem_shared>>
      tpu.enqueue_dma source(%arg7 : memref<128x128xf32, #tpu.memory_space<vmem>>) target(%dma_start3A_225 : memref<128x128xf32, #tpu.memory_space<vmem_shared>>) target_semaphore(%run_scoped3A_221 : memref<!tpu.dma_semaphore, #tpu.memory_space<semaphore_mem>>)
      %dma_wait3A_226 = arith.constant 0 : i32
      %dma_wait3A_227 = tpu.memref_slice %arg10[%add3A_11, %dma_wait3A_226] : memref<10240x128xf32, #tpu.memory_space<vmem_shared>> -> memref<128x128xf32, #tpu.memory_space<vmem_shared>>
      %dma_wait3A_228 = arith.constant 0 : i32
      %dma_wait3A_229 = tpu.memref_slice %arg10[%add3A_11, %dma_wait3A_228] : memref<10240x128xf32, #tpu.memory_space<vmem_shared>> -> memref<128x128xf32, #tpu.memory_space<vmem_shared>>
      tpu.wait_dma2 semaphore(%run_scoped3A_221 : memref<!tpu.dma_semaphore, #tpu.memory_space<semaphore_mem>>) src(%arg7 : memref<128x128xf32, #tpu.memory_space<vmem>>) dst(%dma_wait3A_229 : memref<128x128xf32, #tpu.memory_space<vmem_shared>>)
      tpu.yield
    }) : () -> ()
    %add3A_12 = arith.constant 0 : i32
    %add3A_13 = arith.addi %mul3A_2, %add3A_12 : i32
    %run_scoped3A = arith.constant 0 : i32
    "tpu.region"() ({
      %run_scoped3A_221 = tpu.sem_alloc : memref<!tpu.dma_semaphore, #tpu.memory_space<semaphore_mem>>
      %dma_start3A_222 = arith.constant 0 : i32
      %dma_start3A_223 = tpu.memref_slice %arg7[%run_scoped3A, %dma_start3A_222] : memref<128x128xf32, #tpu.memory_space<vmem>> -> memref<1x128xf32, #tpu.memory_space<vmem>>
      %dma_start3A_224 = tpu.memref_squeeze %dma_start3A_223 : memref<1x128xf32, #tpu.memory_space<vmem>> -> memref<128xf32, #tpu.memory_space<vmem>>
      %dma_start3A_225 = tpu.memref_slice %arg11[%add3A_13] : memref<10240xf32, #tpu.memory_space<vmem_shared>> -> memref<128xf32, #tpu.memory_space<vmem_shared>>
      %dma_start3A_226 = tpu.memref_slice %arg11[%add3A_13] : memref<10240xf32, #tpu.memory_space<vmem_shared>> -> memref<128xf32, #tpu.memory_space<vmem_shared>>
      %dma_start3A_227 = arith.constant 0 : i32
      %dma_start3A_228 = tpu.memref_slice %arg7[%run_scoped3A, %dma_start3A_227] : memref<128x128xf32, #tpu.memory_space<vmem>> -> memref<1x128xf32, #tpu.memory_space<vmem>>
      %dma_start3A_229 = tpu.memref_squeeze %dma_start3A_228 : memref<1x128xf32, #tpu.memory_space<vmem>> -> memref<128xf32, #tpu.memory_space<vmem>>
      tpu.enqueue_dma source(%dma_start3A_229 : memref<128xf32, #tpu.memory_space<vmem>>) target(%dma_start3A_226 : memref<128xf32, #tpu.memory_space<vmem_shared>>) target_semaphore(%run_scoped3A_221 : memref<!tpu.dma_semaphore, #tpu.memory_space<semaphore_mem>>)
      %dma_wait3A_230 = arith.constant 0 : i32
      %dma_wait3A_231 = tpu.memref_slice %arg7[%run_scoped3A, %dma_wait3A_230] : memref<128x128xf32, #tpu.memory_space<vmem>> -> memref<1x128xf32, #tpu.memory_space<vmem>>
      %dma_wait3A_232 = tpu.memref_squeeze %dma_wait3A_231 : memref<1x128xf32, #tpu.memory_space<vmem>> -> memref<128xf32, #tpu.memory_space<vmem>>
      %dma_wait3A_233 = tpu.memref_slice %arg11[%add3A_13] : memref<10240xf32, #tpu.memory_space<vmem_shared>> -> memref<128xf32, #tpu.memory_space<vmem_shared>>
      %dma_wait3A_234 = tpu.memref_slice %arg11[%add3A_13] : memref<10240xf32, #tpu.memory_space<vmem_shared>> -> memref<128xf32, #tpu.memory_space<vmem_shared>>
      %dma_wait3A_235 = arith.constant 0 : i32
      %dma_wait3A_236 = tpu.memref_slice %arg7[%run_scoped3A, %dma_wait3A_235] : memref<128x128xf32, #tpu.memory_space<vmem>> -> memref<1x128xf32, #tpu.memory_space<vmem>>
      %dma_wait3A_237 = tpu.memref_squeeze %dma_wait3A_236 : memref<1x128xf32, #tpu.memory_space<vmem>> -> memref<128xf32, #tpu.memory_space<vmem>>
      tpu.wait_dma2 semaphore(%run_scoped3A_221 : memref<!tpu.dma_semaphore, #tpu.memory_space<semaphore_mem>>) src(%dma_wait3A_237 : memref<128xf32, #tpu.memory_space<vmem>>) dst(%dma_wait3A_234 : memref<128xf32, #tpu.memory_space<vmem_shared>>)
      tpu.yield
    }) : () -> ()
    %add3A_14 = arith.constant 128 : i32
    %add3A_15 = arith.addi %mul3A_2, %add3A_14 : i32
    "tpu.region"() ({
      %run_scoped3A_221 = tpu.sem_alloc : memref<!tpu.dma_semaphore, #tpu.memory_space<semaphore_mem>>
      %dma_start3A_222 = arith.constant 0 : i32
      %dma_start3A_223 = tpu.memref_slice %arg10[%add3A_15, %dma_start3A_222] : memref<10240x128xf32, #tpu.memory_space<vmem_shared>> -> memref<128x128xf32, #tpu.memory_space<vmem_shared>>
      %dma_start3A_224 = arith.constant 0 : i32
      %dma_start3A_225 = tpu.memref_slice %arg10[%add3A_15, %dma_start3A_224] : memref<10240x128xf32, #tpu.memory_space<vmem_shared>> -> memref<128x128xf32, #tpu.memory_space<vmem_shared>>
      tpu.enqueue_dma source(%arg7 : memref<128x128xf32, #tpu.memory_space<vmem>>) target(%dma_start3A_225 : memref<128x128xf32, #tpu.memory_space<vmem_shared>>) target_semaphore(%run_scoped3A_221 : memref<!tpu.dma_semaphore, #tpu.memory_space<semaphore_mem>>)
      %dma_wait3A_226 = arith.constant 0 : i32
      %dma_wait3A_227 = tpu.memref_slice %arg10[%add3A_15, %dma_wait3A_226] : memref<10240x128xf32, #tpu.memory_space<vmem_shared>> -> memref<128x128xf32, #tpu.memory_space<vmem_shared>>
      %dma_wait3A_228 = arith.constant 0 : i32
      %dma_wait3A_229 = tpu.memref_slice %arg10[%add3A_15, %dma_wait3A_228] : memref<10240x128xf32, #tpu.memory_space<vmem_shared>> -> memref<128x128xf32, #tpu.memory_space<vmem_shared>>
      tpu.wait_dma2 semaphore(%run_scoped3A_221 : memref<!tpu.dma_semaphore, #tpu.memory_space<semaphore_mem>>) src(%arg7 : memref<128x128xf32, #tpu.memory_space<vmem>>) dst(%dma_wait3A_229 : memref<128x128xf32, #tpu.memory_space<vmem_shared>>)
      tpu.yield
    }) : () -> ()
    %add3A_16 = arith.constant 128 : i32
    %add3A_17 = arith.addi %mul3A_2, %add3A_16 : i32
    %run_scoped3A_18 = arith.constant 0 : i32
    "tpu.region"() ({
      %run_scoped3A_221 = tpu.sem_alloc : memref<!tpu.dma_semaphore, #tpu.memory_space<semaphore_mem>>
      %dma_start3A_222 = arith.constant 0 : i32
      %dma_start3A_223 = tpu.memref_slice %arg7[%run_scoped3A_18, %dma_start3A_222] : memref<128x128xf32, #tpu.memory_space<vmem>> -> memref<1x128xf32, #tpu.memory_space<vmem>>
      %dma_start3A_224 = tpu.memref_squeeze %dma_start3A_223 : memref<1x128xf32, #tpu.memory_space<vmem>> -> memref<128xf32, #tpu.memory_space<vmem>>
      %dma_start3A_225 = tpu.memref_slice %arg11[%add3A_17] : memref<10240xf32, #tpu.memory_space<vmem_shared>> -> memref<128xf32, #tpu.memory_space<vmem_shared>>
      %dma_start3A_226 = tpu.memref_slice %arg11[%add3A_17] : memref<10240xf32, #tpu.memory_space<vmem_shared>> -> memref<128xf32, #tpu.memory_space<vmem_shared>>
      %dma_start3A_227 = arith.constant 0 : i32
      %dma_start3A_228 = tpu.memref_slice %arg7[%run_scoped3A_18, %dma_start3A_227] : memref<128x128xf32, #tpu.memory_space<vmem>> -> memref<1x128xf32, #tpu.memory_space<vmem>>
      %dma_start3A_229 = tpu.memref_squeeze %dma_start3A_228 : memref<1x128xf32, #tpu.memory_space<vmem>> -> memref<128xf32, #tpu.memory_space<vmem>>
      tpu.enqueue_dma source(%dma_start3A_229 : memref<128xf32, #tpu.memory_space<vmem>>) target(%dma_start3A_226 : memref<128xf32, #tpu.memory_space<vmem_shared>>) target_semaphore(%run_scoped3A_221 : memref<!tpu.dma_semaphore, #tpu.memory_space<semaphore_mem>>)
      %dma_wait3A_230 = arith.constant 0 : i32
      %dma_wait3A_231 = tpu.memref_slice %arg7[%run_scoped3A_18, %dma_wait3A_230] : memref<128x128xf32, #tpu.memory_space<vmem>> -> memref<1x128xf32, #tpu.memory_space<vmem>>
      %dma_wait3A_232 = tpu.memref_squeeze %dma_wait3A_231 : memref<1x128xf32, #tpu.memory_space<vmem>> -> memref<128xf32, #tpu.memory_space<vmem>>
      %dma_wait3A_233 = tpu.memref_slice %arg11[%add3A_17] : memref<10240xf32, #tpu.memory_space<vmem_shared>> -> memref<128xf32, #tpu.memory_space<vmem_shared>>
      %dma_wait3A_234 = tpu.memref_slice %arg11[%add3A_17] : memref<10240xf32, #tpu.memory_space<vmem_shared>> -> memref<128xf32, #tpu.memory_space<vmem_shared>>
      %dma_wait3A_235 = arith.constant 0 : i32
      %dma_wait3A_236 = tpu.memref_slice %arg7[%run_scoped3A_18, %dma_wait3A_235] : memref<128x128xf32, #tpu.memory_space<vmem>> -> memref<1x128xf32, #tpu.memory_space<vmem>>
      %dma_wait3A_237 = tpu.memref_squeeze %dma_wait3A_236 : memref<1x128xf32, #tpu.memory_space<vmem>> -> memref<128xf32, #tpu.memory_space<vmem>>
      tpu.wait_dma2 semaphore(%run_scoped3A_221 : memref<!tpu.dma_semaphore, #tpu.memory_space<semaphore_mem>>) src(%dma_wait3A_237 : memref<128xf32, #tpu.memory_space<vmem>>) dst(%dma_wait3A_234 : memref<128xf32, #tpu.memory_space<vmem_shared>>)
      tpu.yield
    }) : () -> ()
    %add3A_19 = arith.constant 256 : i32
    %add3A_20 = arith.addi %mul3A_2, %add3A_19 : i32
    "tpu.region"() ({
      %run_scoped3A_221 = tpu.sem_alloc : memref<!tpu.dma_semaphore, #tpu.memory_space<semaphore_mem>>
      %dma_start3A_222 = arith.constant 0 : i32
      %dma_start3A_223 = tpu.memref_slice %arg10[%add3A_20, %dma_start3A_222] : memref<10240x128xf32, #tpu.memory_space<vmem_shared>> -> memref<128x128xf32, #tpu.memory_space<vmem_shared>>
      %dma_start3A_224 = arith.constant 0 : i32
      %dma_start3A_225 = tpu.memref_slice %arg10[%add3A_20, %dma_start3A_224] : memref<10240x128xf32, #tpu.memory_space<vmem_shared>> -> memref<128x128xf32, #tpu.memory_space<vmem_shared>>
      tpu.enqueue_dma source(%arg7 : memref<128x128xf32, #tpu.memory_space<vmem>>) target(%dma_start3A_225 : memref<128x128xf32, #tpu.memory_space<vmem_shared>>) target_semaphore(%run_scoped3A_221 : memref<!tpu.dma_semaphore, #tpu.memory_space<semaphore_mem>>)
      %dma_wait3A_226 = arith.constant 0 : i32
      %dma_wait3A_227 = tpu.memref_slice %arg10[%add3A_20, %dma_wait3A_226] : memref<10240x128xf32, #tpu.memory_space<vmem_shared>> -> memref<128x128xf32, #tpu.memory_space<vmem_shared>>
      %dma_wait3A_228 = arith.constant 0 : i32
      %dma_wait3A_229 = tpu.memref_slice %arg10[%add3A_20, %dma_wait3A_228] : memref<10240x128xf32, #tpu.memory_space<vmem_shared>> -> memref<128x128xf32, #tpu.memory_space<vmem_shared>>
      tpu.wait_dma2 semaphore(%run_scoped3A_221 : memref<!tpu.dma_semaphore, #tpu.memory_space<semaphore_mem>>) src(%arg7 : memref<128x128xf32, #tpu.memory_space<vmem>>) dst(%dma_wait3A_229 : memref<128x128xf32, #tpu.memory_space<vmem_shared>>)
      tpu.yield
    }) : () -> ()
    %add3A_21 = arith.constant 256 : i32
    %add3A_22 = arith.addi %mul3A_2, %add3A_21 : i32
    %run_scoped3A_23 = arith.constant 0 : i32
    "tpu.region"() ({
      %run_scoped3A_221 = tpu.sem_alloc : memref<!tpu.dma_semaphore, #tpu.memory_space<semaphore_mem>>
      %dma_start3A_222 = arith.constant 0 : i32
      %dma_start3A_223 = tpu.memref_slice %arg7[%run_scoped3A_23, %dma_start3A_222] : memref<128x128xf32, #tpu.memory_space<vmem>> -> memref<1x128xf32, #tpu.memory_space<vmem>>
      %dma_start3A_224 = tpu.memref_squeeze %dma_start3A_223 : memref<1x128xf32, #tpu.memory_space<vmem>> -> memref<128xf32, #tpu.memory_space<vmem>>
      %dma_start3A_225 = tpu.memref_slice %arg11[%add3A_22] : memref<10240xf32, #tpu.memory_space<vmem_shared>> -> memref<128xf32, #tpu.memory_space<vmem_shared>>
      %dma_start3A_226 = tpu.memref_slice %arg11[%add3A_22] : memref<10240xf32, #tpu.memory_space<vmem_shared>> -> memref<128xf32, #tpu.memory_space<vmem_shared>>
      %dma_start3A_227 = arith.constant 0 : i32
      %dma_start3A_228 = tpu.memref_slice %arg7[%run_scoped3A_23, %dma_start3A_227] : memref<128x128xf32, #tpu.memory_space<vmem>> -> memref<1x128xf32, #tpu.memory_space<vmem>>
      %dma_start3A_229 = tpu.memref_squeeze %dma_start3A_228 : memref<1x128xf32, #tpu.memory_space<vmem>> -> memref<128xf32, #tpu.memory_space<vmem>>
      tpu.enqueue_dma source(%dma_start3A_229 : memref<128xf32, #tpu.memory_space<vmem>>) target(%dma_start3A_226 : memref<128xf32, #tpu.memory_space<vmem_shared>>) target_semaphore(%run_scoped3A_221 : memref<!tpu.dma_semaphore, #tpu.memory_space<semaphore_mem>>)
      %dma_wait3A_230 = arith.constant 0 : i32
      %dma_wait3A_231 = tpu.memref_slice %arg7[%run_scoped3A_23, %dma_wait3A_230] : memref<128x128xf32, #tpu.memory_space<vmem>> -> memref<1x128xf32, #tpu.memory_space<vmem>>
      %dma_wait3A_232 = tpu.memref_squeeze %dma_wait3A_231 : memref<1x128xf32, #tpu.memory_space<vmem>> -> memref<128xf32, #tpu.memory_space<vmem>>
      %dma_wait3A_233 = tpu.memref_slice %arg11[%add3A_22] : memref<10240xf32, #tpu.memory_space<vmem_shared>> -> memref<128xf32, #tpu.memory_space<vmem_shared>>
      %dma_wait3A_234 = tpu.memref_slice %arg11[%add3A_22] : memref<10240xf32, #tpu.memory_space<vmem_shared>> -> memref<128xf32, #tpu.memory_space<vmem_shared>>
      %dma_wait3A_235 = arith.constant 0 : i32
      %dma_wait3A_236 = tpu.memref_slice %arg7[%run_scoped3A_23, %dma_wait3A_235] : memref<128x128xf32, #tpu.memory_space<vmem>> -> memref<1x128xf32, #tpu.memory_space<vmem>>
      %dma_wait3A_237 = tpu.memref_squeeze %dma_wait3A_236 : memref<1x128xf32, #tpu.memory_space<vmem>> -> memref<128xf32, #tpu.memory_space<vmem>>
      tpu.wait_dma2 semaphore(%run_scoped3A_221 : memref<!tpu.dma_semaphore, #tpu.memory_space<semaphore_mem>>) src(%dma_wait3A_237 : memref<128xf32, #tpu.memory_space<vmem>>) dst(%dma_wait3A_234 : memref<128xf32, #tpu.memory_space<vmem_shared>>)
      tpu.yield
    }) : () -> ()
    %add3A_24 = arith.constant 384 : i32
    %add3A_25 = arith.addi %mul3A_2, %add3A_24 : i32
    "tpu.region"() ({
      %run_scoped3A_221 = tpu.sem_alloc : memref<!tpu.dma_semaphore, #tpu.memory_space<semaphore_mem>>
      %dma_start3A_222 = arith.constant 0 : i32
      %dma_start3A_223 = tpu.memref_slice %arg10[%add3A_25, %dma_start3A_222] : memref<10240x128xf32, #tpu.memory_space<vmem_shared>> -> memref<128x128xf32, #tpu.memory_space<vmem_shared>>
      %dma_start3A_224 = arith.constant 0 : i32
      %dma_start3A_225 = tpu.memref_slice %arg10[%add3A_25, %dma_start3A_224] : memref<10240x128xf32, #tpu.memory_space<vmem_shared>> -> memref<128x128xf32, #tpu.memory_space<vmem_shared>>
      tpu.enqueue_dma source(%arg7 : memref<128x128xf32, #tpu.memory_space<vmem>>) target(%dma_start3A_225 : memref<128x128xf32, #tpu.memory_space<vmem_shared>>) target_semaphore(%run_scoped3A_221 : memref<!tpu.dma_semaphore, #tpu.memory_space<semaphore_mem>>)
      %dma_wait3A_226 = arith.constant 0 : i32
      %dma_wait3A_227 = tpu.memref_slice %arg10[%add3A_25, %dma_wait3A_226] : memref<10240x128xf32, #tpu.memory_space<vmem_shared>> -> memref<128x128xf32, #tpu.memory_space<vmem_shared>>
      %dma_wait3A_228 = arith.constant 0 : i32
      %dma_wait3A_229 = tpu.memref_slice %arg10[%add3A_25, %dma_wait3A_228] : memref<10240x128xf32, #tpu.memory_space<vmem_shared>> -> memref<128x128xf32, #tpu.memory_space<vmem_shared>>
      tpu.wait_dma2 semaphore(%run_scoped3A_221 : memref<!tpu.dma_semaphore, #tpu.memory_space<semaphore_mem>>) src(%arg7 : memref<128x128xf32, #tpu.memory_space<vmem>>) dst(%dma_wait3A_229 : memref<128x128xf32, #tpu.memory_space<vmem_shared>>)
      tpu.yield
    }) : () -> ()
    %add3A_26 = arith.constant 384 : i32
    %add3A_27 = arith.addi %mul3A_2, %add3A_26 : i32
    %run_scoped3A_28 = arith.constant 0 : i32
    "tpu.region"() ({
      %run_scoped3A_221 = tpu.sem_alloc : memref<!tpu.dma_semaphore, #tpu.memory_space<semaphore_mem>>
      %dma_start3A_222 = arith.constant 0 : i32
      %dma_start3A_223 = tpu.memref_slice %arg7[%run_scoped3A_28, %dma_start3A_222] : memref<128x128xf32, #tpu.memory_space<vmem>> -> memref<1x128xf32, #tpu.memory_space<vmem>>
      %dma_start3A_224 = tpu.memref_squeeze %dma_start3A_223 : memref<1x128xf32, #tpu.memory_space<vmem>> -> memref<128xf32, #tpu.memory_space<vmem>>
      %dma_start3A_225 = tpu.memref_slice %arg11[%add3A_27] : memref<10240xf32, #tpu.memory_space<vmem_shared>> -> memref<128xf32, #tpu.memory_space<vmem_shared>>
      %dma_start3A_226 = tpu.memref_slice %arg11[%add3A_27] : memref<10240xf32, #tpu.memory_space<vmem_shared>> -> memref<128xf32, #tpu.memory_space<vmem_shared>>
      %dma_start3A_227 = arith.constant 0 : i32
      %dma_start3A_228 = tpu.memref_slice %arg7[%run_scoped3A_28, %dma_start3A_227] : memref<128x128xf32, #tpu.memory_space<vmem>> -> memref<1x128xf32, #tpu.memory_space<vmem>>
      %dma_start3A_229 = tpu.memref_squeeze %dma_start3A_228 : memref<1x128xf32, #tpu.memory_space<vmem>> -> memref<128xf32, #tpu.memory_space<vmem>>
      tpu.enqueue_dma source(%dma_start3A_229 : memref<128xf32, #tpu.memory_space<vmem>>) target(%dma_start3A_226 : memref<128xf32, #tpu.memory_space<vmem_shared>>) target_semaphore(%run_scoped3A_221 : memref<!tpu.dma_semaphore, #tpu.memory_space<semaphore_mem>>)
      %dma_wait3A_230 = arith.constant 0 : i32
      %dma_wait3A_231 = tpu.memref_slice %arg7[%run_scoped3A_28, %dma_wait3A_230] : memref<128x128xf32, #tpu.memory_space<vmem>> -> memref<1x128xf32, #tpu.memory_space<vmem>>
      %dma_wait3A_232 = tpu.memref_squeeze %dma_wait3A_231 : memref<1x128xf32, #tpu.memory_space<vmem>> -> memref<128xf32, #tpu.memory_space<vmem>>
      %dma_wait3A_233 = tpu.memref_slice %arg11[%add3A_27] : memref<10240xf32, #tpu.memory_space<vmem_shared>> -> memref<128xf32, #tpu.memory_space<vmem_shared>>
      %dma_wait3A_234 = tpu.memref_slice %arg11[%add3A_27] : memref<10240xf32, #tpu.memory_space<vmem_shared>> -> memref<128xf32, #tpu.memory_space<vmem_shared>>
      %dma_wait3A_235 = arith.constant 0 : i32
      %dma_wait3A_236 = tpu.memref_slice %arg7[%run_scoped3A_28, %dma_wait3A_235] : memref<128x128xf32, #tpu.memory_space<vmem>> -> memref<1x128xf32, #tpu.memory_space<vmem>>
      %dma_wait3A_237 = tpu.memref_squeeze %dma_wait3A_236 : memref<1x128xf32, #tpu.memory_space<vmem>> -> memref<128xf32, #tpu.memory_space<vmem>>
      tpu.wait_dma2 semaphore(%run_scoped3A_221 : memref<!tpu.dma_semaphore, #tpu.memory_space<semaphore_mem>>) src(%dma_wait3A_237 : memref<128xf32, #tpu.memory_space<vmem>>) dst(%dma_wait3A_234 : memref<128xf32, #tpu.memory_space<vmem_shared>>)
      tpu.yield
    }) : () -> ()
    %add3A_29 = arith.constant 512 : i32
    %add3A_30 = arith.addi %mul3A_2, %add3A_29 : i32
    "tpu.region"() ({
      %run_scoped3A_221 = tpu.sem_alloc : memref<!tpu.dma_semaphore, #tpu.memory_space<semaphore_mem>>
      %dma_start3A_222 = arith.constant 0 : i32
      %dma_start3A_223 = tpu.memref_slice %arg10[%add3A_30, %dma_start3A_222] : memref<10240x128xf32, #tpu.memory_space<vmem_shared>> -> memref<128x128xf32, #tpu.memory_space<vmem_shared>>
      %dma_start3A_224 = arith.constant 0 : i32
      %dma_start3A_225 = tpu.memref_slice %arg10[%add3A_30, %dma_start3A_224] : memref<10240x128xf32, #tpu.memory_space<vmem_shared>> -> memref<128x128xf32, #tpu.memory_space<vmem_shared>>
      tpu.enqueue_dma source(%arg7 : memref<128x128xf32, #tpu.memory_space<vmem>>) target(%dma_start3A_225 : memref<128x128xf32, #tpu.memory_space<vmem_shared>>) target_semaphore(%run_scoped3A_221 : memref<!tpu.dma_semaphore, #tpu.memory_space<semaphore_mem>>)
      %dma_wait3A_226 = arith.constant 0 : i32
      %dma_wait3A_227 = tpu.memref_slice %arg10[%add3A_30, %dma_wait3A_226] : memref<10240x128xf32, #tpu.memory_space<vmem_shared>> -> memref<128x128xf32, #tpu.memory_space<vmem_shared>>
      %dma_wait3A_228 = arith.constant 0 : i32
      %dma_wait3A_229 = tpu.memref_slice %arg10[%add3A_30, %dma_wait3A_228] : memref<10240x128xf32, #tpu.memory_space<vmem_shared>> -> memref<128x128xf32, #tpu.memory_space<vmem_shared>>
      tpu.wait_dma2 semaphore(%run_scoped3A_221 : memref<!tpu.dma_semaphore, #tpu.memory_space<semaphore_mem>>) src(%arg7 : memref<128x128xf32, #tpu.memory_space<vmem>>) dst(%dma_wait3A_229 : memref<128x128xf32, #tpu.memory_space<vmem_shared>>)
      tpu.yield
    }) : () -> ()
    %add3A_31 = arith.constant 512 : i32
    %add3A_32 = arith.addi %mul3A_2, %add3A_31 : i32
    %run_scoped3A_33 = arith.constant 0 : i32
    "tpu.region"() ({
      %run_scoped3A_221 = tpu.sem_alloc : memref<!tpu.dma_semaphore, #tpu.memory_space<semaphore_mem>>
      %dma_start3A_222 = arith.constant 0 : i32
      %dma_start3A_223 = tpu.memref_slice %arg7[%run_scoped3A_33, %dma_start3A_222] : memref<128x128xf32, #tpu.memory_space<vmem>> -> memref<1x128xf32, #tpu.memory_space<vmem>>
      %dma_start3A_224 = tpu.memref_squeeze %dma_start3A_223 : memref<1x128xf32, #tpu.memory_space<vmem>> -> memref<128xf32, #tpu.memory_space<vmem>>
      %dma_start3A_225 = tpu.memref_slice %arg11[%add3A_32] : memref<10240xf32, #tpu.memory_space<vmem_shared>> -> memref<128xf32, #tpu.memory_space<vmem_shared>>
      %dma_start3A_226 = tpu.memref_slice %arg11[%add3A_32] : memref<10240xf32, #tpu.memory_space<vmem_shared>> -> memref<128xf32, #tpu.memory_space<vmem_shared>>
      %dma_start3A_227 = arith.constant 0 : i32
      %dma_start3A_228 = tpu.memref_slice %arg7[%run_scoped3A_33, %dma_start3A_227] : memref<128x128xf32, #tpu.memory_space<vmem>> -> memref<1x128xf32, #tpu.memory_space<vmem>>
      %dma_start3A_229 = tpu.memref_squeeze %dma_start3A_228 : memref<1x128xf32, #tpu.memory_space<vmem>> -> memref<128xf32, #tpu.memory_space<vmem>>
      tpu.enqueue_dma source(%dma_start3A_229 : memref<128xf32, #tpu.memory_space<vmem>>) target(%dma_start3A_226 : memref<128xf32, #tpu.memory_space<vmem_shared>>) target_semaphore(%run_scoped3A_221 : memref<!tpu.dma_semaphore, #tpu.memory_space<semaphore_mem>>)
      %dma_wait3A_230 = arith.constant 0 : i32
      %dma_wait3A_231 = tpu.memref_slice %arg7[%run_scoped3A_33, %dma_wait3A_230] : memref<128x128xf32, #tpu.memory_space<vmem>> -> memref<1x128xf32, #tpu.memory_space<vmem>>
      %dma_wait3A_232 = tpu.memref_squeeze %dma_wait3A_231 : memref<1x128xf32, #tpu.memory_space<vmem>> -> memref<128xf32, #tpu.memory_space<vmem>>
      %dma_wait3A_233 = tpu.memref_slice %arg11[%add3A_32] : memref<10240xf32, #tpu.memory_space<vmem_shared>> -> memref<128xf32, #tpu.memory_space<vmem_shared>>
      %dma_wait3A_234 = tpu.memref_slice %arg11[%add3A_32] : memref<10240xf32, #tpu.memory_space<vmem_shared>> -> memref<128xf32, #tpu.memory_space<vmem_shared>>
      %dma_wait3A_235 = arith.constant 0 : i32
      %dma_wait3A_236 = tpu.memref_slice %arg7[%run_scoped3A_33, %dma_wait3A_235] : memref<128x128xf32, #tpu.memory_space<vmem>> -> memref<1x128xf32, #tpu.memory_space<vmem>>
      %dma_wait3A_237 = tpu.memref_squeeze %dma_wait3A_236 : memref<1x128xf32, #tpu.memory_space<vmem>> -> memref<128xf32, #tpu.memory_space<vmem>>
      tpu.wait_dma2 semaphore(%run_scoped3A_221 : memref<!tpu.dma_semaphore, #tpu.memory_space<semaphore_mem>>) src(%dma_wait3A_237 : memref<128xf32, #tpu.memory_space<vmem>>) dst(%dma_wait3A_234 : memref<128xf32, #tpu.memory_space<vmem_shared>>)
      tpu.yield
    }) : () -> ()
    %broadcast_in_dim3A = arith.constant 1.000000e+00 : f32
    %broadcast_in_dim3A_34 = vector.broadcast %broadcast_in_dim3A : f32 to vector<16xf32>
    %swap3A = arith.constant 0 : index
    %swap3A_35 = tpu.vector_load %arg9[%swap3A] {strides = array<i32>} : memref<128xf32, #tpu.memory_space<vmem>>, vector<16xf32>,
    %swap3A_36 = vector.shape_cast %swap3A_35 : vector<16xf32> to vector<16xf32>
    %swap3A_37 = vector.shape_cast %broadcast_in_dim3A_34 : vector<16xf32> to vector<16xf32>
    tpu.vector_store %arg9[%swap3A], %swap3A_37 {strides = array<i32>} : memref<128xf32, #tpu.memory_space<vmem>>, vector<16xf32>,
    %broadcast_in_dim3A_38 = arith.constant 1.000000e+00 : f32
    %broadcast_in_dim3A_39 = vector.broadcast %broadcast_in_dim3A_38 : f32 to vector<16xf32>
    %swap3A_40 = arith.constant 16 : index
    %swap3A_41 = tpu.vector_load %arg9[%swap3A_40] {strides = array<i32>} : memref<128xf32, #tpu.memory_space<vmem>>, vector<16xf32>,
    %swap3A_42 = vector.shape_cast %swap3A_41 : vector<16xf32> to vector<16xf32>
    %swap3A_43 = vector.shape_cast %broadcast_in_dim3A_39 : vector<16xf32> to vector<16xf32>
    tpu.vector_store %arg9[%swap3A_40], %swap3A_43 {strides = array<i32>} : memref<128xf32, #tpu.memory_space<vmem>>, vector<16xf32>,
    %broadcast_in_dim3A_44 = arith.constant 1.000000e+00 : f32
    %broadcast_in_dim3A_45 = vector.broadcast %broadcast_in_dim3A_44 : f32 to vector<16xf32>
    %swap3A_46 = arith.constant 32 : index
    %swap3A_47 = tpu.vector_load %arg9[%swap3A_46] {strides = array<i32>} : memref<128xf32, #tpu.memory_space<vmem>>, vector<16xf32>,
    %swap3A_48 = vector.shape_cast %swap3A_47 : vector<16xf32> to vector<16xf32>
    %swap3A_49 = vector.shape_cast %broadcast_in_dim3A_45 : vector<16xf32> to vector<16xf32>
    tpu.vector_store %arg9[%swap3A_46], %swap3A_49 {strides = array<i32>} : memref<128xf32, #tpu.memory_space<vmem>>, vector<16xf32>,
    %broadcast_in_dim3A_50 = arith.constant 1.000000e+00 : f32
    %broadcast_in_dim3A_51 = vector.broadcast %broadcast_in_dim3A_50 : f32 to vector<16xf32>
    %swap3A_52 = arith.constant 48 : index
    %swap3A_53 = tpu.vector_load %arg9[%swap3A_52] {strides = array<i32>} : memref<128xf32, #tpu.memory_space<vmem>>, vector<16xf32>,
    %swap3A_54 = vector.shape_cast %swap3A_53 : vector<16xf32> to vector<16xf32>
    %swap3A_55 = vector.shape_cast %broadcast_in_dim3A_51 : vector<16xf32> to vector<16xf32>
    tpu.vector_store %arg9[%swap3A_52], %swap3A_55 {strides = array<i32>} : memref<128xf32, #tpu.memory_space<vmem>>, vector<16xf32>,
    %broadcast_in_dim3A_56 = arith.constant 1.000000e+00 : f32
    %broadcast_in_dim3A_57 = vector.broadcast %broadcast_in_dim3A_56 : f32 to vector<16xf32>
    %swap3A_58 = arith.constant 64 : index
    %swap3A_59 = tpu.vector_load %arg9[%swap3A_58] {strides = array<i32>} : memref<128xf32, #tpu.memory_space<vmem>>, vector<16xf32>,
    %swap3A_60 = vector.shape_cast %swap3A_59 : vector<16xf32> to vector<16xf32>
    %swap3A_61 = vector.shape_cast %broadcast_in_dim3A_57 : vector<16xf32> to vector<16xf32>
    tpu.vector_store %arg9[%swap3A_58], %swap3A_61 {strides = array<i32>} : memref<128xf32, #tpu.memory_space<vmem>>, vector<16xf32>,
    %broadcast_in_dim3A_62 = arith.constant 1.000000e+00 : f32
    %broadcast_in_dim3A_63 = vector.broadcast %broadcast_in_dim3A_62 : f32 to vector<16xf32>
    %swap3A_64 = arith.constant 80 : index
    %swap3A_65 = tpu.vector_load %arg9[%swap3A_64] {strides = array<i32>} : memref<128xf32, #tpu.memory_space<vmem>>, vector<16xf32>,
    %swap3A_66 = vector.shape_cast %swap3A_65 : vector<16xf32> to vector<16xf32>
    %swap3A_67 = vector.shape_cast %broadcast_in_dim3A_63 : vector<16xf32> to vector<16xf32>
    tpu.vector_store %arg9[%swap3A_64], %swap3A_67 {strides = array<i32>} : memref<128xf32, #tpu.memory_space<vmem>>, vector<16xf32>,
    %broadcast_in_dim3A_68 = arith.constant 1.000000e+00 : f32
    %broadcast_in_dim3A_69 = vector.broadcast %broadcast_in_dim3A_68 : f32 to vector<16xf32>
    %swap3A_70 = arith.constant 96 : index
    %swap3A_71 = tpu.vector_load %arg9[%swap3A_70] {strides = array<i32>} : memref<128xf32, #tpu.memory_space<vmem>>, vector<16xf32>,
    %swap3A_72 = vector.shape_cast %swap3A_71 : vector<16xf32> to vector<16xf32>
    %swap3A_73 = vector.shape_cast %broadcast_in_dim3A_69 : vector<16xf32> to vector<16xf32>
    tpu.vector_store %arg9[%swap3A_70], %swap3A_73 {strides = array<i32>} : memref<128xf32, #tpu.memory_space<vmem>>, vector<16xf32>,
    %broadcast_in_dim3A_74 = arith.constant 1.000000e+00 : f32
    %broadcast_in_dim3A_75 = vector.broadcast %broadcast_in_dim3A_74 : f32 to vector<16xf32>
    %swap3A_76 = arith.constant 112 : index
    %swap3A_77 = tpu.vector_load %arg9[%swap3A_76] {strides = array<i32>} : memref<128xf32, #tpu.memory_space<vmem>>, vector<16xf32>,
    %swap3A_78 = vector.shape_cast %swap3A_77 : vector<16xf32> to vector<16xf32>
    %swap3A_79 = vector.shape_cast %broadcast_in_dim3A_75 : vector<16xf32> to vector<16xf32>
    tpu.vector_store %arg9[%swap3A_76], %swap3A_79 {strides = array<i32>} : memref<128xf32, #tpu.memory_space<vmem>>, vector<16xf32>,
    %barrier3A = arith.constant 0 : index
    tpu.barrier barrier_id(%barrier3A)
    %run_scoped3A_80 = arith.constant 0 : i32
    "tpu.region"() ({
      %run_scoped3A_221 = tpu.sem_alloc : memref<!tpu.dma_semaphore, #tpu.memory_space<semaphore_mem>>
      %dma_start3A_222 = arith.constant 0 : i32
      %dma_start3A_223 = arith.constant 0 : i32
      %dma_start3A_224 = arith.constant 0 : i32
      %dma_start3A_225 = tpu.memref_slice %arg6[%run_scoped3A_80, %dma_start3A_222, %dma_start3A_223, %dma_start3A_224] : memref<2x26x2x128xi32, #tpu.memory_space<vmem>> -> memref<1x26x2x128xi32, #tpu.memory_space<vmem>>
      %dma_start3A_226 = tpu.memref_squeeze %dma_start3A_225 : memref<1x26x2x128xi32, #tpu.memory_space<vmem>> -> memref<26x2x128xi32, #tpu.memory_space<vmem>>
      %dma_start3A_227 = arith.constant 0 : i32
      %dma_start3A_228 = arith.constant 0 : i32
      %dma_start3A_229 = tpu.memref_slice %arg2[%mul3A_4, %dma_start3A_227, %dma_start3A_228] : memref<2500x2x128xi32, #tpu.memory_space<hbm>> -> memref<26x2x128xi32, #tpu.memory_space<hbm>>
      %dma_start3A_230 = arith.constant 0 : i32
      %dma_start3A_231 = arith.constant 0 : i32
      %dma_start3A_232 = arith.constant 0 : i32
      %dma_start3A_233 = tpu.memref_slice %arg6[%run_scoped3A_80, %dma_start3A_230, %dma_start3A_231, %dma_start3A_232] : memref<2x26x2x128xi32, #tpu.memory_space<vmem>> -> memref<1x26x2x128xi32, #tpu.memory_space<vmem>>
      %dma_start3A_234 = tpu.memref_squeeze %dma_start3A_233 : memref<1x26x2x128xi32, #tpu.memory_space<vmem>> -> memref<26x2x128xi32, #tpu.memory_space<vmem>>
      %dma_start3A_235 = arith.constant 0 : i32
      %dma_start3A_236 = arith.constant 0 : i32
      %dma_start3A_237 = tpu.memref_slice %arg2[%mul3A_4, %dma_start3A_235, %dma_start3A_236] : memref<2500x2x128xi32, #tpu.memory_space<hbm>> -> memref<26x2x128xi32, #tpu.memory_space<hbm>>
      tpu.enqueue_dma source(%dma_start3A_237 : memref<26x2x128xi32, #tpu.memory_space<hbm>>) target(%dma_start3A_234 : memref<26x2x128xi32, #tpu.memory_space<vmem>>) target_semaphore(%run_scoped3A_221 : memref<!tpu.dma_semaphore, #tpu.memory_space<semaphore_mem>>)
      %dma_wait3A_238 = arith.constant 0 : i32
      %dma_wait3A_239 = arith.constant 0 : i32
      %dma_wait3A_240 = arith.constant 0 : i32
      %dma_wait3A_241 = tpu.memref_slice %arg6[%run_scoped3A_80, %dma_wait3A_238, %dma_wait3A_239, %dma_wait3A_240] : memref<2x26x2x128xi32, #tpu.memory_space<vmem>> -> memref<1x26x2x128xi32, #tpu.memory_space<vmem>>
      %dma_wait3A_242 = tpu.memref_squeeze %dma_wait3A_241 : memref<1x26x2x128xi32, #tpu.memory_space<vmem>> -> memref<26x2x128xi32, #tpu.memory_space<vmem>>
      %dma_wait3A_243 = arith.constant 0 : i32
      %dma_wait3A_244 = arith.constant 0 : i32
      %dma_wait3A_245 = tpu.memref_slice %arg2[%mul3A_4, %dma_wait3A_243, %dma_wait3A_244] : memref<2500x2x128xi32, #tpu.memory_space<hbm>> -> memref<26x2x128xi32, #tpu.memory_space<hbm>>
      %dma_wait3A_246 = arith.constant 0 : i32
      %dma_wait3A_247 = arith.constant 0 : i32
      %dma_wait3A_248 = arith.constant 0 : i32
      %dma_wait3A_249 = tpu.memref_slice %arg6[%run_scoped3A_80, %dma_wait3A_246, %dma_wait3A_247, %dma_wait3A_248] : memref<2x26x2x128xi32, #tpu.memory_space<vmem>> -> memref<1x26x2x128xi32, #tpu.memory_space<vmem>>
      %dma_wait3A_250 = tpu.memref_squeeze %dma_wait3A_249 : memref<1x26x2x128xi32, #tpu.memory_space<vmem>> -> memref<26x2x128xi32, #tpu.memory_space<vmem>>
      %dma_wait3A_251 = arith.constant 0 : i32
      %dma_wait3A_252 = arith.constant 0 : i32
      %dma_wait3A_253 = tpu.memref_slice %arg2[%mul3A_4, %dma_wait3A_251, %dma_wait3A_252] : memref<2500x2x128xi32, #tpu.memory_space<hbm>> -> memref<26x2x128xi32, #tpu.memory_space<hbm>>
      tpu.wait_dma2 semaphore(%run_scoped3A_221 : memref<!tpu.dma_semaphore, #tpu.memory_space<semaphore_mem>>) src(%dma_wait3A_253 : memref<26x2x128xi32, #tpu.memory_space<hbm>>) dst(%dma_wait3A_250 : memref<26x2x128xi32, #tpu.memory_space<vmem>>)
      tpu.yield
    }) : () -> ()
    %dma_start3A = arith.constant 0 : i32
    %dma_start3A_81 = arith.constant 0 : i32
    %dma_start3A_82 = arith.constant 0 : i32
    %dma_start3A_83 = arith.constant 0 : i32
    %dma_start3A_84 = tpu.memref_slice %arg6[%dma_start3A, %dma_start3A_81, %dma_start3A_82, %dma_start3A_83] : memref<2x26x2x128xi32, #tpu.memory_space<vmem>> -> memref<1x1x1x128xi32, #tpu.memory_space<vmem>>
    %dma_start3A_85 = tpu.memref_squeeze %dma_start3A_84 : memref<1x1x1x128xi32, #tpu.memory_space<vmem>> -> memref<128xi32, #tpu.memory_space<vmem>>
    %dma_start3A_86 = arith.constant 0 : i32
    %dma_start3A_87 = arith.constant 0 : i32
    %dma_start3A_88 = tpu.memref_slice %arg3[%dma_start3A_86, %dma_start3A_87] : memref<10000x128xf32, #tpu.memory_space<hbm>> -> memref<10000x128xf32, #tpu.memory_space<hbm>>
    tpu.enqueue_indirect_dma source(%dma_start3A_88 : memref<10000x128xf32, #tpu.memory_space<hbm>>) target(%arg7 : memref<128x128xf32, #tpu.memory_space<vmem>>) offsets(%dma_start3A_85 : memref<128xi32, #tpu.memory_space<vmem>>) semaphore(%arg12 : memref<!tpu.dma_semaphore, #tpu.memory_space<semaphore_mem>>)
    %add3A_89 = arith.constant 26 : i32
    %add3A_90 = arith.addi %mul3A_4, %add3A_89 : i32
    %dma_start3A_91 = arith.constant 1 : i32
    %dma_start3A_92 = arith.constant 0 : i32
    %dma_start3A_93 = arith.constant 0 : i32
    %dma_start3A_94 = arith.constant 0 : i32
    %dma_start3A_95 = tpu.memref_slice %arg6[%dma_start3A_91, %dma_start3A_92, %dma_start3A_93, %dma_start3A_94] : memref<2x26x2x128xi32, #tpu.memory_space<vmem>> -> memref<1x26x2x128xi32, #tpu.memory_space<vmem>>
    %dma_start3A_96 = tpu.memref_squeeze %dma_start3A_95 : memref<1x26x2x128xi32, #tpu.memory_space<vmem>> -> memref<26x2x128xi32, #tpu.memory_space<vmem>>
    %dma_start3A_97 = arith.constant 0 : i32
    %dma_start3A_98 = arith.constant 0 : i32
    %dma_start3A_99 = tpu.memref_slice %arg2[%add3A_90, %dma_start3A_97, %dma_start3A_98] : memref<2500x2x128xi32, #tpu.memory_space<hbm>> -> memref<26x2x128xi32, #tpu.memory_space<hbm>>
    %dma_start3A_100 = arith.constant 0 : i32
    %dma_start3A_101 = arith.constant 0 : i32
    %dma_start3A_102 = arith.constant 0 : i32
    %dma_start3A_103 = tpu.memref_slice %arg6[%dma_start3A_91, %dma_start3A_100, %dma_start3A_101, %dma_start3A_102] : memref<2x26x2x128xi32, #tpu.memory_space<vmem>> -> memref<1x26x2x128xi32, #tpu.memory_space<vmem>>
    %dma_start3A_104 = tpu.memref_squeeze %dma_start3A_103 : memref<1x26x2x128xi32, #tpu.memory_space<vmem>> -> memref<26x2x128xi32, #tpu.memory_space<vmem>>
    %dma_start3A_105 = arith.constant 0 : i32
    %dma_start3A_106 = arith.constant 0 : i32
    %dma_start3A_107 = tpu.memref_slice %arg2[%add3A_90, %dma_start3A_105, %dma_start3A_106] : memref<2500x2x128xi32, #tpu.memory_space<hbm>> -> memref<26x2x128xi32, #tpu.memory_space<hbm>>
    tpu.enqueue_dma source(%dma_start3A_107 : memref<26x2x128xi32, #tpu.memory_space<hbm>>) target(%dma_start3A_104 : memref<26x2x128xi32, #tpu.memory_space<vmem>>) target_semaphore(%arg16 : memref<!tpu.dma_semaphore, #tpu.memory_space<semaphore_mem>>)
    %scan3A_108 = arith.constant 0 : i32
    %scan3A_109 = arith.constant 0 : i32
    %scan3A_110 = arith.constant 13 : i32
    %scan3A_111 = arith.addi %scan3A_109, %scan3A_110 : i32
    %scan3A_112 = arith.constant 1 : i32
    scf.for %scan3A_221 = %scan3A_109 to %scan3A_111 step %scan3A_112  : i32 {
      %mul3A_222 = arith.constant 2 : i32
      %mul3A_223 = arith.muli %mul3A_222, %scan3A_221 : i32
      %add3A_224 = arith.constant 1 : i32
      %add3A_225 = arith.addi %mul3A_223, %add3A_224 : i32
      %dma_start3A_226 = arith.constant 0 : i32
      %dma_start3A_227 = arith.constant 0 : i32
      %dma_start3A_228 = arith.constant 0 : i32
      %dma_start3A_229 = tpu.memref_slice %arg6[%dma_start3A_226, %add3A_225, %dma_start3A_227, %dma_start3A_228] : memref<2x26x2x128xi32, #tpu.memory_space<vmem>> -> memref<1x1x1x128xi32, #tpu.memory_space<vmem>>
      %dma_start3A_230 = tpu.memref_squeeze %dma_start3A_229 : memref<1x1x1x128xi32, #tpu.memory_space<vmem>> -> memref<128xi32, #tpu.memory_space<vmem>>
      %dma_start3A_231 = arith.constant 0 : i32
      %dma_start3A_232 = arith.constant 0 : i32
      %dma_start3A_233 = tpu.memref_slice %arg3[%dma_start3A_231, %dma_start3A_232] : memref<10000x128xf32, #tpu.memory_space<hbm>> -> memref<10000x128xf32, #tpu.memory_space<hbm>>
      tpu.enqueue_indirect_dma source(%dma_start3A_233 : memref<10000x128xf32, #tpu.memory_space<hbm>>) target(%arg8 : memref<128x128xf32, #tpu.memory_space<vmem>>) offsets(%dma_start3A_230 : memref<128xi32, #tpu.memory_space<vmem>>) semaphore(%arg13 : memref<!tpu.dma_semaphore, #tpu.memory_space<semaphore_mem>>)
      %dma_wait3A_234 = arith.constant 0 : i32
      %dma_wait3A_235 = arith.constant 0 : i32
      %dma_wait3A_236 = arith.constant 0 : i32
      %dma_wait3A_237 = tpu.memref_slice %arg6[%dma_wait3A_234, %mul3A_223, %dma_wait3A_235, %dma_wait3A_236] : memref<2x26x2x128xi32, #tpu.memory_space<vmem>> -> memref<1x1x1x128xi32, #tpu.memory_space<vmem>>
      %dma_wait3A_238 = tpu.memref_squeeze %dma_wait3A_237 : memref<1x1x1x128xi32, #tpu.memory_space<vmem>> -> memref<128xi32, #tpu.memory_space<vmem>>
      %dma_wait3A_239 = arith.constant 0 : i32
      %dma_wait3A_240 = arith.constant 0 : i32
      %dma_wait3A_241 = tpu.memref_slice %arg3[%dma_wait3A_239, %dma_wait3A_240] : memref<10000x128xf32, #tpu.memory_space<hbm>> -> memref<10000x128xf32, #tpu.memory_space<hbm>>
      tpu.wait_indirect_dma semaphore(%arg12 : memref<!tpu.dma_semaphore, #tpu.memory_space<semaphore_mem>>) src(%dma_wait3A_241 : memref<10000x128xf32, #tpu.memory_space<hbm>>) dst(%arg7 : memref<128x128xf32, #tpu.memory_space<vmem>>)
      %dma_start3A_242 = arith.constant 0 : i32
      %dma_start3A_243 = arith.constant 1 : i32
      %dma_start3A_244 = arith.constant 0 : i32
      %dma_start3A_245 = tpu.memref_slice %arg6[%dma_start3A_242, %mul3A_223, %dma_start3A_243, %dma_start3A_244] : memref<2x26x2x128xi32, #tpu.memory_space<vmem>> -> memref<1x1x1x128xi32, #tpu.memory_space<vmem>>
      %dma_start3A_246 = tpu.memref_squeeze %dma_start3A_245 : memref<1x1x1x128xi32, #tpu.memory_space<vmem>> -> memref<128xi32, #tpu.memory_space<vmem>>
      %dma_start3A_247 = arith.constant 0 : i32
      %dma_start3A_248 = arith.constant 0 : i32
      %dma_start3A_249 = tpu.memref_slice %arg10[%dma_start3A_247, %dma_start3A_248] : memref<10240x128xf32, #tpu.memory_space<vmem_shared>> -> memref<10240x128xf32, #tpu.memory_space<vmem_shared>>
      tpu.enqueue_indirect_dma source(%arg7 : memref<128x128xf32, #tpu.memory_space<vmem>>) target(%dma_start3A_249 : memref<10240x128xf32, #tpu.memory_space<vmem_shared>>) offsets(%dma_start3A_246 : memref<128xi32, #tpu.memory_space<vmem>>) semaphore(%arg14 : memref<!tpu.dma_semaphore, #tpu.memory_space<semaphore_mem>>) {add = true}
      %dma_start3A_250 = arith.constant 0 : i32
      %dma_start3A_251 = arith.constant 1 : i32
      %dma_start3A_252 = arith.constant 0 : i32
      %dma_start3A_253 = tpu.memref_slice %arg6[%dma_start3A_250, %mul3A_223, %dma_start3A_251, %dma_start3A_252] : memref<2x26x2x128xi32, #tpu.memory_space<vmem>> -> memref<1x1x1x128xi32, #tpu.memory_space<vmem>>
      %dma_start3A_254 = tpu.memref_squeeze %dma_start3A_253 : memref<1x1x1x128xi32, #tpu.memory_space<vmem>> -> memref<128xi32, #tpu.memory_space<vmem>>
      %dma_start3A_255 = arith.constant 0 : i32
      %dma_start3A_256 = tpu.memref_slice %arg11[%dma_start3A_255] : memref<10240xf32, #tpu.memory_space<vmem_shared>> -> memref<10240xf32, #tpu.memory_space<vmem_shared>>
      tpu.enqueue_indirect_dma source(%arg9 : memref<128xf32, #tpu.memory_space<vmem>>) target(%dma_start3A_256 : memref<10240xf32, #tpu.memory_space<vmem_shared>>) offsets(%dma_start3A_254 : memref<128xi32, #tpu.memory_space<vmem>>) semaphore(%arg15 : memref<!tpu.dma_semaphore, #tpu.memory_space<semaphore_mem>>) {add = true}
      %dma_wait3A_257 = arith.constant 0 : i32
      %dma_wait3A_258 = arith.constant 0 : i32
      %dma_wait3A_259 = arith.constant 0 : i32
      %dma_wait3A_260 = tpu.memref_slice %arg6[%dma_wait3A_257, %add3A_225, %dma_wait3A_258, %dma_wait3A_259] : memref<2x26x2x128xi32, #tpu.memory_space<vmem>> -> memref<1x1x1x128xi32, #tpu.memory_space<vmem>>
      %dma_wait3A_261 = tpu.memref_squeeze %dma_wait3A_260 : memref<1x1x1x128xi32, #tpu.memory_space<vmem>> -> memref<128xi32, #tpu.memory_space<vmem>>
      %dma_wait3A_262 = arith.constant 0 : i32
      %dma_wait3A_263 = arith.constant 0 : i32
      %dma_wait3A_264 = tpu.memref_slice %arg3[%dma_wait3A_262, %dma_wait3A_263] : memref<10000x128xf32, #tpu.memory_space<hbm>> -> memref<10000x128xf32, #tpu.memory_space<hbm>>
      tpu.wait_indirect_dma semaphore(%arg13 : memref<!tpu.dma_semaphore, #tpu.memory_space<semaphore_mem>>) src(%dma_wait3A_264 : memref<10000x128xf32, #tpu.memory_space<hbm>>) dst(%arg8 : memref<128x128xf32, #tpu.memory_space<vmem>>)
      %dma_wait3A_265 = arith.constant 0 : i32
      %dma_wait3A_266 = arith.constant 1 : i32
      %dma_wait3A_267 = arith.constant 0 : i32
      %dma_wait3A_268 = tpu.memref_slice %arg6[%dma_wait3A_265, %mul3A_223, %dma_wait3A_266, %dma_wait3A_267] : memref<2x26x2x128xi32, #tpu.memory_space<vmem>> -> memref<1x1x1x128xi32, #tpu.memory_space<vmem>>
      %dma_wait3A_269 = tpu.memref_squeeze %dma_wait3A_268 : memref<1x1x1x128xi32, #tpu.memory_space<vmem>> -> memref<128xi32, #tpu.memory_space<vmem>>
      %dma_wait3A_270 = arith.constant 0 : i32
      %dma_wait3A_271 = arith.constant 0 : i32
      %dma_wait3A_272 = tpu.memref_slice %arg10[%dma_wait3A_270, %dma_wait3A_271] : memref<10240x128xf32, #tpu.memory_space<vmem_shared>> -> memref<10240x128xf32, #tpu.memory_space<vmem_shared>>
      tpu.wait_indirect_dma semaphore(%arg14 : memref<!tpu.dma_semaphore, #tpu.memory_space<semaphore_mem>>) src(%arg7 : memref<128x128xf32, #tpu.memory_space<vmem>>) dst(%dma_wait3A_272 : memref<10240x128xf32, #tpu.memory_space<vmem_shared>>)
      %lt3A_273 = arith.constant 12 : i32
      %lt3A_274 = arith.cmpi slt, %scan3A_221, %lt3A_273 : i32
      %convert_element_type3A_275 = arith.extui %lt3A_274 : i1 to i32
      %cond3A_276 = arith.constant 0 : i32
      %cond3A_277 = arith.cmpi ne, %convert_element_type3A_275, %cond3A_276 : i32
      scf.if %cond3A_277 {
        %add3A_287 = arith.constant 2 : i32
        %add3A_288 = arith.addi %mul3A_223, %add3A_287 : i32
        %dma_start3A_289 = arith.constant 0 : i32
        %dma_start3A_290 = arith.constant 0 : i32
        %dma_start3A_291 = arith.constant 0 : i32
        %dma_start3A_292 = tpu.memref_slice %arg6[%dma_start3A_289, %add3A_288, %dma_start3A_290, %dma_start3A_291] : memref<2x26x2x128xi32, #tpu.memory_space<vmem>> -> memref<1x1x1x128xi32, #tpu.memory_space<vmem>>
        %dma_start3A_293 = tpu.memref_squeeze %dma_start3A_292 : memref<1x1x1x128xi32, #tpu.memory_space<vmem>> -> memref<128xi32, #tpu.memory_space<vmem>>
        %dma_start3A_294 = arith.constant 0 : i32
        %dma_start3A_295 = arith.constant 0 : i32
        %dma_start3A_296 = tpu.memref_slice %arg3[%dma_start3A_294, %dma_start3A_295] : memref<10000x128xf32, #tpu.memory_space<hbm>> -> memref<10000x128xf32, #tpu.memory_space<hbm>>
        tpu.enqueue_indirect_dma source(%dma_start3A_296 : memref<10000x128xf32, #tpu.memory_space<hbm>>) target(%arg7 : memref<128x128xf32, #tpu.memory_space<vmem>>) offsets(%dma_start3A_293 : memref<128xi32, #tpu.memory_space<vmem>>) semaphore(%arg12 : memref<!tpu.dma_semaphore, #tpu.memory_space<semaphore_mem>>)
      } else {
      }
      %run_scoped3A_278 = arith.constant 0 : i32
      %run_scoped3A_279 = arith.constant 1 : i32
      "tpu.region"() ({
        %run_scoped3A_287 = tpu.sem_alloc : memref<!tpu.dma_semaphore, #tpu.memory_space<semaphore_mem>>
        %dma_start3A_288 = arith.constant 0 : i32
        %dma_start3A_289 = tpu.memref_slice %arg6[%run_scoped3A_278, %add3A_225, %run_scoped3A_279, %dma_start3A_288] : memref<2x26x2x128xi32, #tpu.memory_space<vmem>> -> memref<1x1x1x128xi32, #tpu.memory_space<vmem>>
        %dma_start3A_290 = tpu.memref_squeeze %dma_start3A_289 : memref<1x1x1x128xi32, #tpu.memory_space<vmem>> -> memref<128xi32, #tpu.memory_space<vmem>>
        %dma_start3A_291 = arith.constant 0 : i32
        %dma_start3A_292 = arith.constant 0 : i32
        %dma_start3A_293 = tpu.memref_slice %arg10[%dma_start3A_291, %dma_start3A_292] : memref<10240x128xf32, #tpu.memory_space<vmem_shared>> -> memref<10240x128xf32, #tpu.memory_space<vmem_shared>>
        tpu.enqueue_indirect_dma source(%arg8 : memref<128x128xf32, #tpu.memory_space<vmem>>) target(%dma_start3A_293 : memref<10240x128xf32, #tpu.memory_space<vmem_shared>>) offsets(%dma_start3A_290 : memref<128xi32, #tpu.memory_space<vmem>>) semaphore(%run_scoped3A_287 : memref<!tpu.dma_semaphore, #tpu.memory_space<semaphore_mem>>) {add = true}
        %dma_wait3A_294 = arith.constant 0 : i32
        %dma_wait3A_295 = tpu.memref_slice %arg6[%run_scoped3A_278, %add3A_225, %run_scoped3A_279, %dma_wait3A_294] : memref<2x26x2x128xi32, #tpu.memory_space<vmem>> -> memref<1x1x1x128xi32, #tpu.memory_space<vmem>>
        %dma_wait3A_296 = tpu.memref_squeeze %dma_wait3A_295 : memref<1x1x1x128xi32, #tpu.memory_space<vmem>> -> memref<128xi32, #tpu.memory_space<vmem>>
        %dma_wait3A_297 = arith.constant 0 : i32
        %dma_wait3A_298 = arith.constant 0 : i32
        %dma_wait3A_299 = tpu.memref_slice %arg10[%dma_wait3A_297, %dma_wait3A_298] : memref<10240x128xf32, #tpu.memory_space<vmem_shared>> -> memref<10240x128xf32, #tpu.memory_space<vmem_shared>>
        tpu.wait_indirect_dma semaphore(%run_scoped3A_287 : memref<!tpu.dma_semaphore, #tpu.memory_space<semaphore_mem>>) src(%arg8 : memref<128x128xf32, #tpu.memory_space<vmem>>) dst(%dma_wait3A_299 : memref<10240x128xf32, #tpu.memory_space<vmem_shared>>)
        tpu.yield
      }) : () -> ()
      %dma_start3A_280 = arith.constant 0 : i32
      %dma_start3A_281 = arith.constant 1 : i32
      %dma_start3A_282 = arith.constant 0 : i32
      %dma_start3A_283 = tpu.memref_slice %arg6[%dma_start3A_280, %add3A_225, %dma_start3A_281, %dma_start3A_282] : memref<2x26x2x128xi32, #tpu.memory_space<vmem>> -> memref<1x1x1x128xi32, #tpu.memory_space<vmem>>
      %dma_start3A_284 = tpu.memref_squeeze %dma_start3A_283 : memref<1x1x1x128xi32, #tpu.memory_space<vmem>> -> memref<128xi32, #tpu.memory_space<vmem>>
      %dma_start3A_285 = arith.constant 0 : i32
      %dma_start3A_286 = tpu.memref_slice %arg11[%dma_start3A_285] : memref<10240xf32, #tpu.memory_space<vmem_shared>> -> memref<10240xf32, #tpu.memory_space<vmem_shared>>
      tpu.enqueue_indirect_dma source(%arg9 : memref<128xf32, #tpu.memory_space<vmem>>) target(%dma_start3A_286 : memref<10240xf32, #tpu.memory_space<vmem_shared>>) offsets(%dma_start3A_284 : memref<128xi32, #tpu.memory_space<vmem>>) semaphore(%arg15 : memref<!tpu.dma_semaphore, #tpu.memory_space<semaphore_mem>>) {add = true}
    }
    %scan3A_113 = arith.constant 13 : i32
    %scan3A_114 = arith.constant 0 : i32
    %scan3A_115 = arith.constant 0 : i32
    %scan3A_116 = arith.constant 26 : i32
    %scan3A_117 = arith.addi %scan3A_115, %scan3A_116 : i32
    %scan3A_118 = arith.constant 1 : i32
    scf.for %scan3A_221 = %scan3A_115 to %scan3A_117 step %scan3A_118  : i32 {
      %dma_wait3A_222 = arith.constant 0 : i32
      %dma_wait3A_223 = arith.constant 0 : i32
      %dma_wait3A_224 = arith.constant 1 : i32
      %dma_wait3A_225 = arith.constant 0 : i32
      %dma_wait3A_226 = tpu.memref_slice %arg6[%dma_wait3A_222, %dma_wait3A_223, %dma_wait3A_224, %dma_wait3A_225] : memref<2x26x2x128xi32, #tpu.memory_space<vmem>> -> memref<1x1x1x128xi32, #tpu.memory_space<vmem>>
      %dma_wait3A_227 = tpu.memref_squeeze %dma_wait3A_226 : memref<1x1x1x128xi32, #tpu.memory_space<vmem>> -> memref<128xi32, #tpu.memory_space<vmem>>
      %dma_wait3A_228 = arith.constant 0 : i32
      %dma_wait3A_229 = tpu.memref_slice %arg11[%dma_wait3A_228] : memref<10240xf32, #tpu.memory_space<vmem_shared>> -> memref<10240xf32, #tpu.memory_space<vmem_shared>>
      tpu.wait_indirect_dma semaphore(%arg15 : memref<!tpu.dma_semaphore, #tpu.memory_space<semaphore_mem>>) src(%arg9 : memref<128xf32, #tpu.memory_space<vmem>>) dst(%dma_wait3A_229 : memref<10240xf32, #tpu.memory_space<vmem_shared>>)
    }
    %scan3A_119 = arith.constant 26 : i32
    %add3A_120 = arith.constant 26 : i32
    %add3A_121 = arith.addi %mul3A_4, %add3A_120 : i32
    %dma_wait3A = arith.constant 1 : i32
    %dma_wait3A_122 = arith.constant 0 : i32
    %dma_wait3A_123 = arith.constant 0 : i32
    %dma_wait3A_124 = arith.constant 0 : i32
    %dma_wait3A_125 = tpu.memref_slice %arg6[%dma_wait3A, %dma_wait3A_122, %dma_wait3A_123, %dma_wait3A_124] : memref<2x26x2x128xi32, #tpu.memory_space<vmem>> -> memref<1x26x2x128xi32, #tpu.memory_space<vmem>>
    %dma_wait3A_126 = tpu.memref_squeeze %dma_wait3A_125 : memref<1x26x2x128xi32, #tpu.memory_space<vmem>> -> memref<26x2x128xi32, #tpu.memory_space<vmem>>
    %dma_wait3A_127 = arith.constant 0 : i32
    %dma_wait3A_128 = arith.constant 0 : i32
    %dma_wait3A_129 = tpu.memref_slice %arg2[%add3A_121, %dma_wait3A_127, %dma_wait3A_128] : memref<2500x2x128xi32, #tpu.memory_space<hbm>> -> memref<26x2x128xi32, #tpu.memory_space<hbm>>
    %dma_wait3A_130 = arith.constant 0 : i32
    %dma_wait3A_131 = arith.constant 0 : i32
    %dma_wait3A_132 = arith.constant 0 : i32
    %dma_wait3A_133 = tpu.memref_slice %arg6[%dma_wait3A, %dma_wait3A_130, %dma_wait3A_131, %dma_wait3A_132] : memref<2x26x2x128xi32, #tpu.memory_space<vmem>> -> memref<1x26x2x128xi32, #tpu.memory_space<vmem>>
    %dma_wait3A_134 = tpu.memref_squeeze %dma_wait3A_133 : memref<1x26x2x128xi32, #tpu.memory_space<vmem>> -> memref<26x2x128xi32, #tpu.memory_space<vmem>>
    %dma_wait3A_135 = arith.constant 0 : i32
    %dma_wait3A_136 = arith.constant 0 : i32
    %dma_wait3A_137 = tpu.memref_slice %arg2[%add3A_121, %dma_wait3A_135, %dma_wait3A_136] : memref<2500x2x128xi32, #tpu.memory_space<hbm>> -> memref<26x2x128xi32, #tpu.memory_space<hbm>>
    tpu.wait_dma2 semaphore(%arg16 : memref<!tpu.dma_semaphore, #tpu.memory_space<semaphore_mem>>) src(%dma_wait3A_137 : memref<26x2x128xi32, #tpu.memory_space<hbm>>) dst(%dma_wait3A_134 : memref<26x2x128xi32, #tpu.memory_space<vmem>>)
    %dma_start3A_138 = arith.constant 1 : i32
    %dma_start3A_139 = arith.constant 0 : i32
    %dma_start3A_140 = arith.constant 0 : i32
    %dma_start3A_141 = arith.constant 0 : i32
    %dma_start3A_142 = tpu.memref_slice %arg6[%dma_start3A_138, %dma_start3A_139, %dma_start3A_140, %dma_start3A_141] : memref<2x26x2x128xi32, #tpu.memory_space<vmem>> -> memref<1x1x1x128xi32, #tpu.memory_space<vmem>>
    %dma_start3A_143 = tpu.memref_squeeze %dma_start3A_142 : memref<1x1x1x128xi32, #tpu.memory_space<vmem>> -> memref<128xi32, #tpu.memory_space<vmem>>
    %dma_start3A_144 = arith.constant 0 : i32
    %dma_start3A_145 = arith.constant 0 : i32
    %dma_start3A_146 = tpu.memref_slice %arg3[%dma_start3A_144, %dma_start3A_145] : memref<10000x128xf32, #tpu.memory_space<hbm>> -> memref<10000x128xf32, #tpu.memory_space<hbm>>
    tpu.enqueue_indirect_dma source(%dma_start3A_146 : memref<10000x128xf32, #tpu.memory_space<hbm>>) target(%arg7 : memref<128x128xf32, #tpu.memory_space<vmem>>) offsets(%dma_start3A_143 : memref<128xi32, #tpu.memory_space<vmem>>) semaphore(%arg12 : memref<!tpu.dma_semaphore, #tpu.memory_space<semaphore_mem>>)
    %add3A_147 = arith.constant 52 : i32
    %add3A_148 = arith.addi %mul3A_4, %add3A_147 : i32
    %dma_start3A_149 = arith.constant 0 : i32
    %dma_start3A_150 = arith.constant 0 : i32
    %dma_start3A_151 = arith.constant 0 : i32
    %dma_start3A_152 = arith.constant 0 : i32
    %dma_start3A_153 = tpu.memref_slice %arg6[%dma_start3A_149, %dma_start3A_150, %dma_start3A_151, %dma_start3A_152] : memref<2x26x2x128xi32, #tpu.memory_space<vmem>> -> memref<1x26x2x128xi32, #tpu.memory_space<vmem>>
    %dma_start3A_154 = tpu.memref_squeeze %dma_start3A_153 : memref<1x26x2x128xi32, #tpu.memory_space<vmem>> -> memref<26x2x128xi32, #tpu.memory_space<vmem>>
    %dma_start3A_155 = arith.constant 0 : i32
    %dma_start3A_156 = arith.constant 0 : i32
    %dma_start3A_157 = tpu.memref_slice %arg2[%add3A_148, %dma_start3A_155, %dma_start3A_156] : memref<2500x2x128xi32, #tpu.memory_space<hbm>> -> memref<26x2x128xi32, #tpu.memory_space<hbm>>
    %dma_start3A_158 = arith.constant 0 : i32
    %dma_start3A_159 = arith.constant 0 : i32
    %dma_start3A_160 = arith.constant 0 : i32
    %dma_start3A_161 = tpu.memref_slice %arg6[%dma_start3A_149, %dma_start3A_158, %dma_start3A_159, %dma_start3A_160] : memref<2x26x2x128xi32, #tpu.memory_space<vmem>> -> memref<1x26x2x128xi32, #tpu.memory_space<vmem>>
    %dma_start3A_162 = tpu.memref_squeeze %dma_start3A_161 : memref<1x26x2x128xi32, #tpu.memory_space<vmem>> -> memref<26x2x128xi32, #tpu.memory_space<vmem>>
    %dma_start3A_163 = arith.constant 0 : i32
    %dma_start3A_164 = arith.constant 0 : i32
    %dma_start3A_165 = tpu.memref_slice %arg2[%add3A_148, %dma_start3A_163, %dma_start3A_164] : memref<2500x2x128xi32, #tpu.memory_space<hbm>> -> memref<26x2x128xi32, #tpu.memory_space<hbm>>
    tpu.enqueue_dma source(%dma_start3A_165 : memref<26x2x128xi32, #tpu.memory_space<hbm>>) target(%dma_start3A_162 : memref<26x2x128xi32, #tpu.memory_space<vmem>>) target_semaphore(%arg16 : memref<!tpu.dma_semaphore, #tpu.memory_space<semaphore_mem>>)
    %scan3A_166 = arith.constant 0 : i32
    %scan3A_167 = arith.constant 0 : i32
    %scan3A_168 = arith.constant 13 : i32
    %scan3A_169 = arith.addi %scan3A_167, %scan3A_168 : i32
    %scan3A_170 = arith.constant 1 : i32
    scf.for %scan3A_221 = %scan3A_167 to %scan3A_169 step %scan3A_170  : i32 {
      %mul3A_222 = arith.constant 2 : i32
      %mul3A_223 = arith.muli %mul3A_222, %scan3A_221 : i32
      %add3A_224 = arith.constant 1 : i32
      %add3A_225 = arith.addi %mul3A_223, %add3A_224 : i32
      %dma_start3A_226 = arith.constant 1 : i32
      %dma_start3A_227 = arith.constant 0 : i32
      %dma_start3A_228 = arith.constant 0 : i32
      %dma_start3A_229 = tpu.memref_slice %arg6[%dma_start3A_226, %add3A_225, %dma_start3A_227, %dma_start3A_228] : memref<2x26x2x128xi32, #tpu.memory_space<vmem>> -> memref<1x1x1x128xi32, #tpu.memory_space<vmem>>
      %dma_start3A_230 = tpu.memref_squeeze %dma_start3A_229 : memref<1x1x1x128xi32, #tpu.memory_space<vmem>> -> memref<128xi32, #tpu.memory_space<vmem>>
      %dma_start3A_231 = arith.constant 0 : i32
      %dma_start3A_232 = arith.constant 0 : i32
      %dma_start3A_233 = tpu.memref_slice %arg3[%dma_start3A_231, %dma_start3A_232] : memref<10000x128xf32, #tpu.memory_space<hbm>> -> memref<10000x128xf32, #tpu.memory_space<hbm>>
      tpu.enqueue_indirect_dma source(%dma_start3A_233 : memref<10000x128xf32, #tpu.memory_space<hbm>>) target(%arg8 : memref<128x128xf32, #tpu.memory_space<vmem>>) offsets(%dma_start3A_230 : memref<128xi32, #tpu.memory_space<vmem>>) semaphore(%arg13 : memref<!tpu.dma_semaphore, #tpu.memory_space<semaphore_mem>>)
      %dma_wait3A_234 = arith.constant 1 : i32
      %dma_wait3A_235 = arith.constant 0 : i32
      %dma_wait3A_236 = arith.constant 0 : i32
      %dma_wait3A_237 = tpu.memref_slice %arg6[%dma_wait3A_234, %mul3A_223, %dma_wait3A_235, %dma_wait3A_236] : memref<2x26x2x128xi32, #tpu.memory_space<vmem>> -> memref<1x1x1x128xi32, #tpu.memory_space<vmem>>
      %dma_wait3A_238 = tpu.memref_squeeze %dma_wait3A_237 : memref<1x1x1x128xi32, #tpu.memory_space<vmem>> -> memref<128xi32, #tpu.memory_space<vmem>>
      %dma_wait3A_239 = arith.constant 0 : i32
      %dma_wait3A_240 = arith.constant 0 : i32
      %dma_wait3A_241 = tpu.memref_slice %arg3[%dma_wait3A_239, %dma_wait3A_240] : memref<10000x128xf32, #tpu.memory_space<hbm>> -> memref<10000x128xf32, #tpu.memory_space<hbm>>
      tpu.wait_indirect_dma semaphore(%arg12 : memref<!tpu.dma_semaphore, #tpu.memory_space<semaphore_mem>>) src(%dma_wait3A_241 : memref<10000x128xf32, #tpu.memory_space<hbm>>) dst(%arg7 : memref<128x128xf32, #tpu.memory_space<vmem>>)
      %dma_start3A_242 = arith.constant 1 : i32
      %dma_start3A_243 = arith.constant 1 : i32
      %dma_start3A_244 = arith.constant 0 : i32
      %dma_start3A_245 = tpu.memref_slice %arg6[%dma_start3A_242, %mul3A_223, %dma_start3A_243, %dma_start3A_244] : memref<2x26x2x128xi32, #tpu.memory_space<vmem>> -> memref<1x1x1x128xi32, #tpu.memory_space<vmem>>
      %dma_start3A_246 = tpu.memref_squeeze %dma_start3A_245 : memref<1x1x1x128xi32, #tpu.memory_space<vmem>> -> memref<128xi32, #tpu.memory_space<vmem>>
      %dma_start3A_247 = arith.constant 0 : i32
      %dma_start3A_248 = arith.constant 0 : i32
      %dma_start3A_249 = tpu.memref_slice %arg10[%dma_start3A_247, %dma_start3A_248] : memref<10240x128xf32, #tpu.memory_space<vmem_shared>> -> memref<10240x128xf32, #tpu.memory_space<vmem_shared>>
      tpu.enqueue_indirect_dma source(%arg7 : memref<128x128xf32, #tpu.memory_space<vmem>>) target(%dma_start3A_249 : memref<10240x128xf32, #tpu.memory_space<vmem_shared>>) offsets(%dma_start3A_246 : memref<128xi32, #tpu.memory_space<vmem>>) semaphore(%arg14 : memref<!tpu.dma_semaphore, #tpu.memory_space<semaphore_mem>>) {add = true}
      %dma_start3A_250 = arith.constant 1 : i32
      %dma_start3A_251 = arith.constant 1 : i32
      %dma_start3A_252 = arith.constant 0 : i32
      %dma_start3A_253 = tpu.memref_slice %arg6[%dma_start3A_250, %mul3A_223, %dma_start3A_251, %dma_start3A_252] : memref<2x26x2x128xi32, #tpu.memory_space<vmem>> -> memref<1x1x1x128xi32, #tpu.memory_space<vmem>>
      %dma_start3A_254 = tpu.memref_squeeze %dma_start3A_253 : memref<1x1x1x128xi32, #tpu.memory_space<vmem>> -> memref<128xi32, #tpu.memory_space<vmem>>
      %dma_start3A_255 = arith.constant 0 : i32
      %dma_start3A_256 = tpu.memref_slice %arg11[%dma_start3A_255] : memref<10240xf32, #tpu.memory_space<vmem_shared>> -> memref<10240xf32, #tpu.memory_space<vmem_shared>>
      tpu.enqueue_indirect_dma source(%arg9 : memref<128xf32, #tpu.memory_space<vmem>>) target(%dma_start3A_256 : memref<10240xf32, #tpu.memory_space<vmem_shared>>) offsets(%dma_start3A_254 : memref<128xi32, #tpu.memory_space<vmem>>) semaphore(%arg15 : memref<!tpu.dma_semaphore, #tpu.memory_space<semaphore_mem>>) {add = true}
      %dma_wait3A_257 = arith.constant 1 : i32
      %dma_wait3A_258 = arith.constant 0 : i32
      %dma_wait3A_259 = arith.constant 0 : i32
      %dma_wait3A_260 = tpu.memref_slice %arg6[%dma_wait3A_257, %add3A_225, %dma_wait3A_258, %dma_wait3A_259] : memref<2x26x2x128xi32, #tpu.memory_space<vmem>> -> memref<1x1x1x128xi32, #tpu.memory_space<vmem>>
      %dma_wait3A_261 = tpu.memref_squeeze %dma_wait3A_260 : memref<1x1x1x128xi32, #tpu.memory_space<vmem>> -> memref<128xi32, #tpu.memory_space<vmem>>
      %dma_wait3A_262 = arith.constant 0 : i32
      %dma_wait3A_263 = arith.constant 0 : i32
      %dma_wait3A_264 = tpu.memref_slice %arg3[%dma_wait3A_262, %dma_wait3A_263] : memref<10000x128xf32, #tpu.memory_space<hbm>> -> memref<10000x128xf32, #tpu.memory_space<hbm>>
      tpu.wait_indirect_dma semaphore(%arg13 : memref<!tpu.dma_semaphore, #tpu.memory_space<semaphore_mem>>) src(%dma_wait3A_264 : memref<10000x128xf32, #tpu.memory_space<hbm>>) dst(%arg8 : memref<128x128xf32, #tpu.memory_space<vmem>>)
      %dma_wait3A_265 = arith.constant 1 : i32
      %dma_wait3A_266 = arith.constant 1 : i32
      %dma_wait3A_267 = arith.constant 0 : i32
      %dma_wait3A_268 = tpu.memref_slice %arg6[%dma_wait3A_265, %mul3A_223, %dma_wait3A_266, %dma_wait3A_267] : memref<2x26x2x128xi32, #tpu.memory_space<vmem>> -> memref<1x1x1x128xi32, #tpu.memory_space<vmem>>
      %dma_wait3A_269 = tpu.memref_squeeze %dma_wait3A_268 : memref<1x1x1x128xi32, #tpu.memory_space<vmem>> -> memref<128xi32, #tpu.memory_space<vmem>>
      %dma_wait3A_270 = arith.constant 0 : i32
      %dma_wait3A_271 = arith.constant 0 : i32
      %dma_wait3A_272 = tpu.memref_slice %arg10[%dma_wait3A_270, %dma_wait3A_271] : memref<10240x128xf32, #tpu.memory_space<vmem_shared>> -> memref<10240x128xf32, #tpu.memory_space<vmem_shared>>
      tpu.wait_indirect_dma semaphore(%arg14 : memref<!tpu.dma_semaphore, #tpu.memory_space<semaphore_mem>>) src(%arg7 : memref<128x128xf32, #tpu.memory_space<vmem>>) dst(%dma_wait3A_272 : memref<10240x128xf32, #tpu.memory_space<vmem_shared>>)
      %lt3A_273 = arith.constant 12 : i32
      %lt3A_274 = arith.cmpi slt, %scan3A_221, %lt3A_273 : i32
      %convert_element_type3A_275 = arith.extui %lt3A_274 : i1 to i32
      %cond3A_276 = arith.constant 0 : i32
      %cond3A_277 = arith.cmpi ne, %convert_element_type3A_275, %cond3A_276 : i32
      scf.if %cond3A_277 {
        %add3A_287 = arith.constant 2 : i32
        %add3A_288 = arith.addi %mul3A_223, %add3A_287 : i32
        %dma_start3A_289 = arith.constant 1 : i32
        %dma_start3A_290 = arith.constant 0 : i32
        %dma_start3A_291 = arith.constant 0 : i32
        %dma_start3A_292 = tpu.memref_slice %arg6[%dma_start3A_289, %add3A_288, %dma_start3A_290, %dma_start3A_291] : memref<2x26x2x128xi32, #tpu.memory_space<vmem>> -> memref<1x1x1x128xi32, #tpu.memory_space<vmem>>
        %dma_start3A_293 = tpu.memref_squeeze %dma_start3A_292 : memref<1x1x1x128xi32, #tpu.memory_space<vmem>> -> memref<128xi32, #tpu.memory_space<vmem>>
        %dma_start3A_294 = arith.constant 0 : i32
        %dma_start3A_295 = arith.constant 0 : i32
        %dma_start3A_296 = tpu.memref_slice %arg3[%dma_start3A_294, %dma_start3A_295] : memref<10000x128xf32, #tpu.memory_space<hbm>> -> memref<10000x128xf32, #tpu.memory_space<hbm>>
        tpu.enqueue_indirect_dma source(%dma_start3A_296 : memref<10000x128xf32, #tpu.memory_space<hbm>>) target(%arg7 : memref<128x128xf32, #tpu.memory_space<vmem>>) offsets(%dma_start3A_293 : memref<128xi32, #tpu.memory_space<vmem>>) semaphore(%arg12 : memref<!tpu.dma_semaphore, #tpu.memory_space<semaphore_mem>>)
      } else {
      }
      %run_scoped3A_278 = arith.constant 1 : i32
      %run_scoped3A_279 = arith.constant 1 : i32
      "tpu.region"() ({
        %run_scoped3A_287 = tpu.sem_alloc : memref<!tpu.dma_semaphore, #tpu.memory_space<semaphore_mem>>
        %dma_start3A_288 = arith.constant 0 : i32
        %dma_start3A_289 = tpu.memref_slice %arg6[%run_scoped3A_278, %add3A_225, %run_scoped3A_279, %dma_start3A_288] : memref<2x26x2x128xi32, #tpu.memory_space<vmem>> -> memref<1x1x1x128xi32, #tpu.memory_space<vmem>>
        %dma_start3A_290 = tpu.memref_squeeze %dma_start3A_289 : memref<1x1x1x128xi32, #tpu.memory_space<vmem>> -> memref<128xi32, #tpu.memory_space<vmem>>
        %dma_start3A_291 = arith.constant 0 : i32
        %dma_start3A_292 = arith.constant 0 : i32
        %dma_start3A_293 = tpu.memref_slice %arg10[%dma_start3A_291, %dma_start3A_292] : memref<10240x128xf32, #tpu.memory_space<vmem_shared>> -> memref<10240x128xf32, #tpu.memory_space<vmem_shared>>
        tpu.enqueue_indirect_dma source(%arg8 : memref<128x128xf32, #tpu.memory_space<vmem>>) target(%dma_start3A_293 : memref<10240x128xf32, #tpu.memory_space<vmem_shared>>) offsets(%dma_start3A_290 : memref<128xi32, #tpu.memory_space<vmem>>) semaphore(%run_scoped3A_287 : memref<!tpu.dma_semaphore, #tpu.memory_space<semaphore_mem>>) {add = true}
        %dma_wait3A_294 = arith.constant 0 : i32
        %dma_wait3A_295 = tpu.memref_slice %arg6[%run_scoped3A_278, %add3A_225, %run_scoped3A_279, %dma_wait3A_294] : memref<2x26x2x128xi32, #tpu.memory_space<vmem>> -> memref<1x1x1x128xi32, #tpu.memory_space<vmem>>
        %dma_wait3A_296 = tpu.memref_squeeze %dma_wait3A_295 : memref<1x1x1x128xi32, #tpu.memory_space<vmem>> -> memref<128xi32, #tpu.memory_space<vmem>>
        %dma_wait3A_297 = arith.constant 0 : i32
        %dma_wait3A_298 = arith.constant 0 : i32
        %dma_wait3A_299 = tpu.memref_slice %arg10[%dma_wait3A_297, %dma_wait3A_298] : memref<10240x128xf32, #tpu.memory_space<vmem_shared>> -> memref<10240x128xf32, #tpu.memory_space<vmem_shared>>
        tpu.wait_indirect_dma semaphore(%run_scoped3A_287 : memref<!tpu.dma_semaphore, #tpu.memory_space<semaphore_mem>>) src(%arg8 : memref<128x128xf32, #tpu.memory_space<vmem>>) dst(%dma_wait3A_299 : memref<10240x128xf32, #tpu.memory_space<vmem_shared>>)
        tpu.yield
      }) : () -> ()
      %dma_start3A_280 = arith.constant 1 : i32
      %dma_start3A_281 = arith.constant 1 : i32
      %dma_start3A_282 = arith.constant 0 : i32
      %dma_start3A_283 = tpu.memref_slice %arg6[%dma_start3A_280, %add3A_225, %dma_start3A_281, %dma_start3A_282] : memref<2x26x2x128xi32, #tpu.memory_space<vmem>> -> memref<1x1x1x128xi32, #tpu.memory_space<vmem>>
      %dma_start3A_284 = tpu.memref_squeeze %dma_start3A_283 : memref<1x1x1x128xi32, #tpu.memory_space<vmem>> -> memref<128xi32, #tpu.memory_space<vmem>>
      %dma_start3A_285 = arith.constant 0 : i32
      %dma_start3A_286 = tpu.memref_slice %arg11[%dma_start3A_285] : memref<10240xf32, #tpu.memory_space<vmem_shared>> -> memref<10240xf32, #tpu.memory_space<vmem_shared>>
      tpu.enqueue_indirect_dma source(%arg9 : memref<128xf32, #tpu.memory_space<vmem>>) target(%dma_start3A_286 : memref<10240xf32, #tpu.memory_space<vmem_shared>>) offsets(%dma_start3A_284 : memref<128xi32, #tpu.memory_space<vmem>>) semaphore(%arg15 : memref<!tpu.dma_semaphore, #tpu.memory_space<semaphore_mem>>) {add = true}
    }
    %scan3A_171 = arith.constant 13 : i32
    %scan3A_172 = arith.constant 0 : i32
    %scan3A_173 = arith.constant 0 : i32
    %scan3A_174 = arith.constant 26 : i32
    %scan3A_175 = arith.addi %scan3A_173, %scan3A_174 : i32
    %scan3A_176 = arith.constant 1 : i32
    scf.for %scan3A_221 = %scan3A_173 to %scan3A_175 step %scan3A_176  : i32 {
      %dma_wait3A_222 = arith.constant 1 : i32
      %dma_wait3A_223 = arith.constant 0 : i32
      %dma_wait3A_224 = arith.constant 1 : i32
      %dma_wait3A_225 = arith.constant 0 : i32
      %dma_wait3A_226 = tpu.memref_slice %arg6[%dma_wait3A_222, %dma_wait3A_223, %dma_wait3A_224, %dma_wait3A_225] : memref<2x26x2x128xi32, #tpu.memory_space<vmem>> -> memref<1x1x1x128xi32, #tpu.memory_space<vmem>>
      %dma_wait3A_227 = tpu.memref_squeeze %dma_wait3A_226 : memref<1x1x1x128xi32, #tpu.memory_space<vmem>> -> memref<128xi32, #tpu.memory_space<vmem>>
      %dma_wait3A_228 = arith.constant 0 : i32
      %dma_wait3A_229 = tpu.memref_slice %arg11[%dma_wait3A_228] : memref<10240xf32, #tpu.memory_space<vmem_shared>> -> memref<10240xf32, #tpu.memory_space<vmem_shared>>
      tpu.wait_indirect_dma semaphore(%arg15 : memref<!tpu.dma_semaphore, #tpu.memory_space<semaphore_mem>>) src(%arg9 : memref<128xf32, #tpu.memory_space<vmem>>) dst(%dma_wait3A_229 : memref<10240xf32, #tpu.memory_space<vmem_shared>>)
    }
    %scan3A_177 = arith.constant 26 : i32
    %add3A_178 = arith.constant 52 : i32
    %add3A_179 = arith.addi %mul3A_4, %add3A_178 : i32
    %dma_wait3A_180 = arith.constant 0 : i32
    %dma_wait3A_181 = arith.constant 0 : i32
    %dma_wait3A_182 = arith.constant 0 : i32
    %dma_wait3A_183 = arith.constant 0 : i32
    %dma_wait3A_184 = tpu.memref_slice %arg6[%dma_wait3A_180, %dma_wait3A_181, %dma_wait3A_182, %dma_wait3A_183] : memref<2x26x2x128xi32, #tpu.memory_space<vmem>> -> memref<1x26x2x128xi32, #tpu.memory_space<vmem>>
    %dma_wait3A_185 = tpu.memref_squeeze %dma_wait3A_184 : memref<1x26x2x128xi32, #tpu.memory_space<vmem>> -> memref<26x2x128xi32, #tpu.memory_space<vmem>>
    %dma_wait3A_186 = arith.constant 0 : i32
    %dma_wait3A_187 = arith.constant 0 : i32
    %dma_wait3A_188 = tpu.memref_slice %arg2[%add3A_179, %dma_wait3A_186, %dma_wait3A_187] : memref<2500x2x128xi32, #tpu.memory_space<hbm>> -> memref<26x2x128xi32, #tpu.memory_space<hbm>>
    %dma_wait3A_189 = arith.constant 0 : i32
    %dma_wait3A_190 = arith.constant 0 : i32
    %dma_wait3A_191 = arith.constant 0 : i32
    %dma_wait3A_192 = tpu.memref_slice %arg6[%dma_wait3A_180, %dma_wait3A_189, %dma_wait3A_190, %dma_wait3A_191] : memref<2x26x2x128xi32, #tpu.memory_space<vmem>> -> memref<1x26x2x128xi32, #tpu.memory_space<vmem>>
    %dma_wait3A_193 = tpu.memref_squeeze %dma_wait3A_192 : memref<1x26x2x128xi32, #tpu.memory_space<vmem>> -> memref<26x2x128xi32, #tpu.memory_space<vmem>>
    %dma_wait3A_194 = arith.constant 0 : i32
    %dma_wait3A_195 = arith.constant 0 : i32
    %dma_wait3A_196 = tpu.memref_slice %arg2[%add3A_179, %dma_wait3A_194, %dma_wait3A_195] : memref<2500x2x128xi32, #tpu.memory_space<hbm>> -> memref<26x2x128xi32, #tpu.memory_space<hbm>>
    tpu.wait_dma2 semaphore(%arg16 : memref<!tpu.dma_semaphore, #tpu.memory_space<semaphore_mem>>) src(%dma_wait3A_196 : memref<26x2x128xi32, #tpu.memory_space<hbm>>) dst(%dma_wait3A_193 : memref<26x2x128xi32, #tpu.memory_space<vmem>>)
    %dma_start3A_197 = arith.constant 0 : i32
    %dma_start3A_198 = arith.constant 0 : i32
    %dma_start3A_199 = arith.constant 0 : i32
    %dma_start3A_200 = arith.constant 0 : i32
    %dma_start3A_201 = tpu.memref_slice %arg6[%dma_start3A_197, %dma_start3A_198, %dma_start3A_199, %dma_start3A_200] : memref<2x26x2x128xi32, #tpu.memory_space<vmem>> -> memref<1x1x1x128xi32, #tpu.memory_space<vmem>>
    %dma_start3A_202 = tpu.memref_squeeze %dma_start3A_201 : memref<1x1x1x128xi32, #tpu.memory_space<vmem>> -> memref<128xi32, #tpu.memory_space<vmem>>
    %dma_start3A_203 = arith.constant 0 : i32
    %dma_start3A_204 = arith.constant 0 : i32
    %dma_start3A_205 = tpu.memref_slice %arg3[%dma_start3A_203, %dma_start3A_204] : memref<10000x128xf32, #tpu.memory_space<hbm>> -> memref<10000x128xf32, #tpu.memory_space<hbm>>
    tpu.enqueue_indirect_dma source(%dma_start3A_205 : memref<10000x128xf32, #tpu.memory_space<hbm>>) target(%arg7 : memref<128x128xf32, #tpu.memory_space<vmem>>) offsets(%dma_start3A_202 : memref<128xi32, #tpu.memory_space<vmem>>) semaphore(%arg12 : memref<!tpu.dma_semaphore, #tpu.memory_space<semaphore_mem>>)
    %scan3A_206 = arith.constant 0 : i32
    %scan3A_207 = arith.constant 0 : i32
    %scan3A_208 = arith.constant 13 : i32
    %scan3A_209 = arith.addi %scan3A_207, %scan3A_208 : i32
    %scan3A_210 = arith.constant 1 : i32
    scf.for %scan3A_221 = %scan3A_207 to %scan3A_209 step %scan3A_210  : i32 {
      %mul3A_222 = arith.constant 2 : i32
      %mul3A_223 = arith.muli %mul3A_222, %scan3A_221 : i32
      %add3A_224 = arith.constant 1 : i32
      %add3A_225 = arith.addi %mul3A_223, %add3A_224 : i32
      %dma_start3A_226 = arith.constant 0 : i32
      %dma_start3A_227 = arith.constant 0 : i32
      %dma_start3A_228 = arith.constant 0 : i32
      %dma_start3A_229 = tpu.memref_slice %arg6[%dma_start3A_226, %add3A_225, %dma_start3A_227, %dma_start3A_228] : memref<2x26x2x128xi32, #tpu.memory_space<vmem>> -> memref<1x1x1x128xi32, #tpu.memory_space<vmem>>
      %dma_start3A_230 = tpu.memref_squeeze %dma_start3A_229 : memref<1x1x1x128xi32, #tpu.memory_space<vmem>> -> memref<128xi32, #tpu.memory_space<vmem>>
      %dma_start3A_231 = arith.constant 0 : i32
      %dma_start3A_232 = arith.constant 0 : i32
      %dma_start3A_233 = tpu.memref_slice %arg3[%dma_start3A_231, %dma_start3A_232] : memref<10000x128xf32, #tpu.memory_space<hbm>> -> memref<10000x128xf32, #tpu.memory_space<hbm>>
      tpu.enqueue_indirect_dma source(%dma_start3A_233 : memref<10000x128xf32, #tpu.memory_space<hbm>>) target(%arg8 : memref<128x128xf32, #tpu.memory_space<vmem>>) offsets(%dma_start3A_230 : memref<128xi32, #tpu.memory_space<vmem>>) semaphore(%arg13 : memref<!tpu.dma_semaphore, #tpu.memory_space<semaphore_mem>>)
      %dma_wait3A_234 = arith.constant 0 : i32
      %dma_wait3A_235 = arith.constant 0 : i32
      %dma_wait3A_236 = arith.constant 0 : i32
      %dma_wait3A_237 = tpu.memref_slice %arg6[%dma_wait3A_234, %mul3A_223, %dma_wait3A_235, %dma_wait3A_236] : memref<2x26x2x128xi32, #tpu.memory_space<vmem>> -> memref<1x1x1x128xi32, #tpu.memory_space<vmem>>
      %dma_wait3A_238 = tpu.memref_squeeze %dma_wait3A_237 : memref<1x1x1x128xi32, #tpu.memory_space<vmem>> -> memref<128xi32, #tpu.memory_space<vmem>>
      %dma_wait3A_239 = arith.constant 0 : i32
      %dma_wait3A_240 = arith.constant 0 : i32
      %dma_wait3A_241 = tpu.memref_slice %arg3[%dma_wait3A_239, %dma_wait3A_240] : memref<10000x128xf32, #tpu.memory_space<hbm>> -> memref<10000x128xf32, #tpu.memory_space<hbm>>
      tpu.wait_indirect_dma semaphore(%arg12 : memref<!tpu.dma_semaphore, #tpu.memory_space<semaphore_mem>>) src(%dma_wait3A_241 : memref<10000x128xf32, #tpu.memory_space<hbm>>) dst(%arg7 : memref<128x128xf32, #tpu.memory_space<vmem>>)
      %dma_start3A_242 = arith.constant 0 : i32
      %dma_start3A_243 = arith.constant 1 : i32
      %dma_start3A_244 = arith.constant 0 : i32
      %dma_start3A_245 = tpu.memref_slice %arg6[%dma_start3A_242, %mul3A_223, %dma_start3A_243, %dma_start3A_244] : memref<2x26x2x128xi32, #tpu.memory_space<vmem>> -> memref<1x1x1x128xi32, #tpu.memory_space<vmem>>
      %dma_start3A_246 = tpu.memref_squeeze %dma_start3A_245 : memref<1x1x1x128xi32, #tpu.memory_space<vmem>> -> memref<128xi32, #tpu.memory_space<vmem>>
      %dma_start3A_247 = arith.constant 0 : i32
      %dma_start3A_248 = arith.constant 0 : i32
      %dma_start3A_249 = tpu.memref_slice %arg10[%dma_start3A_247, %dma_start3A_248] : memref<10240x128xf32, #tpu.memory_space<vmem_shared>> -> memref<10240x128xf32, #tpu.memory_space<vmem_shared>>
      tpu.enqueue_indirect_dma source(%arg7 : memref<128x128xf32, #tpu.memory_space<vmem>>) target(%dma_start3A_249 : memref<10240x128xf32, #tpu.memory_space<vmem_shared>>) offsets(%dma_start3A_246 : memref<128xi32, #tpu.memory_space<vmem>>) semaphore(%arg14 : memref<!tpu.dma_semaphore, #tpu.memory_space<semaphore_mem>>) {add = true}
      %dma_start3A_250 = arith.constant 0 : i32
      %dma_start3A_251 = arith.constant 1 : i32
      %dma_start3A_252 = arith.constant 0 : i32
      %dma_start3A_253 = tpu.memref_slice %arg6[%dma_start3A_250, %mul3A_223, %dma_start3A_251, %dma_start3A_252] : memref<2x26x2x128xi32, #tpu.memory_space<vmem>> -> memref<1x1x1x128xi32, #tpu.memory_space<vmem>>
      %dma_start3A_254 = tpu.memref_squeeze %dma_start3A_253 : memref<1x1x1x128xi32, #tpu.memory_space<vmem>> -> memref<128xi32, #tpu.memory_space<vmem>>
      %dma_start3A_255 = arith.constant 0 : i32
      %dma_start3A_256 = tpu.memref_slice %arg11[%dma_start3A_255] : memref<10240xf32, #tpu.memory_space<vmem_shared>> -> memref<10240xf32, #tpu.memory_space<vmem_shared>>
      tpu.enqueue_indirect_dma source(%arg9 : memref<128xf32, #tpu.memory_space<vmem>>) target(%dma_start3A_256 : memref<10240xf32, #tpu.memory_space<vmem_shared>>) offsets(%dma_start3A_254 : memref<128xi32, #tpu.memory_space<vmem>>) semaphore(%arg15 : memref<!tpu.dma_semaphore, #tpu.memory_space<semaphore_mem>>) {add = true}
      %dma_wait3A_257 = arith.constant 0 : i32
      %dma_wait3A_258 = arith.constant 0 : i32
      %dma_wait3A_259 = arith.constant 0 : i32
      %dma_wait3A_260 = tpu.memref_slice %arg6[%dma_wait3A_257, %add3A_225, %dma_wait3A_258, %dma_wait3A_259] : memref<2x26x2x128xi32, #tpu.memory_space<vmem>> -> memref<1x1x1x128xi32, #tpu.memory_space<vmem>>
      %dma_wait3A_261 = tpu.memref_squeeze %dma_wait3A_260 : memref<1x1x1x128xi32, #tpu.memory_space<vmem>> -> memref<128xi32, #tpu.memory_space<vmem>>
      %dma_wait3A_262 = arith.constant 0 : i32
      %dma_wait3A_263 = arith.constant 0 : i32
      %dma_wait3A_264 = tpu.memref_slice %arg3[%dma_wait3A_262, %dma_wait3A_263] : memref<10000x128xf32, #tpu.memory_space<hbm>> -> memref<10000x128xf32, #tpu.memory_space<hbm>>
      tpu.wait_indirect_dma semaphore(%arg13 : memref<!tpu.dma_semaphore, #tpu.memory_space<semaphore_mem>>) src(%dma_wait3A_264 : memref<10000x128xf32, #tpu.memory_space<hbm>>) dst(%arg8 : memref<128x128xf32, #tpu.memory_space<vmem>>)
      %dma_wait3A_265 = arith.constant 0 : i32
      %dma_wait3A_266 = arith.constant 1 : i32
      %dma_wait3A_267 = arith.constant 0 : i32
      %dma_wait3A_268 = tpu.memref_slice %arg6[%dma_wait3A_265, %mul3A_223, %dma_wait3A_266, %dma_wait3A_267] : memref<2x26x2x128xi32, #tpu.memory_space<vmem>> -> memref<1x1x1x128xi32, #tpu.memory_space<vmem>>
      %dma_wait3A_269 = tpu.memref_squeeze %dma_wait3A_268 : memref<1x1x1x128xi32, #tpu.memory_space<vmem>> -> memref<128xi32, #tpu.memory_space<vmem>>
      %dma_wait3A_270 = arith.constant 0 : i32
      %dma_wait3A_271 = arith.constant 0 : i32
      %dma_wait3A_272 = tpu.memref_slice %arg10[%dma_wait3A_270, %dma_wait3A_271] : memref<10240x128xf32, #tpu.memory_space<vmem_shared>> -> memref<10240x128xf32, #tpu.memory_space<vmem_shared>>
      tpu.wait_indirect_dma semaphore(%arg14 : memref<!tpu.dma_semaphore, #tpu.memory_space<semaphore_mem>>) src(%arg7 : memref<128x128xf32, #tpu.memory_space<vmem>>) dst(%dma_wait3A_272 : memref<10240x128xf32, #tpu.memory_space<vmem_shared>>)
      %lt3A_273 = arith.constant 12 : i32
      %lt3A_274 = arith.cmpi slt, %scan3A_221, %lt3A_273 : i32
      %convert_element_type3A_275 = arith.extui %lt3A_274 : i1 to i32
      %cond3A_276 = arith.constant 0 : i32
      %cond3A_277 = arith.cmpi ne, %convert_element_type3A_275, %cond3A_276 : i32
      scf.if %cond3A_277 {
        %add3A_287 = arith.constant 2 : i32
        %add3A_288 = arith.addi %mul3A_223, %add3A_287 : i32
        %dma_start3A_289 = arith.constant 0 : i32
        %dma_start3A_290 = arith.constant 0 : i32
        %dma_start3A_291 = arith.constant 0 : i32
        %dma_start3A_292 = tpu.memref_slice %arg6[%dma_start3A_289, %add3A_288, %dma_start3A_290, %dma_start3A_291] : memref<2x26x2x128xi32, #tpu.memory_space<vmem>> -> memref<1x1x1x128xi32, #tpu.memory_space<vmem>>
        %dma_start3A_293 = tpu.memref_squeeze %dma_start3A_292 : memref<1x1x1x128xi32, #tpu.memory_space<vmem>> -> memref<128xi32, #tpu.memory_space<vmem>>
        %dma_start3A_294 = arith.constant 0 : i32
        %dma_start3A_295 = arith.constant 0 : i32
        %dma_start3A_296 = tpu.memref_slice %arg3[%dma_start3A_294, %dma_start3A_295] : memref<10000x128xf32, #tpu.memory_space<hbm>> -> memref<10000x128xf32, #tpu.memory_space<hbm>>
        tpu.enqueue_indirect_dma source(%dma_start3A_296 : memref<10000x128xf32, #tpu.memory_space<hbm>>) target(%arg7 : memref<128x128xf32, #tpu.memory_space<vmem>>) offsets(%dma_start3A_293 : memref<128xi32, #tpu.memory_space<vmem>>) semaphore(%arg12 : memref<!tpu.dma_semaphore, #tpu.memory_space<semaphore_mem>>)
      } else {
      }
      %run_scoped3A_278 = arith.constant 0 : i32
      %run_scoped3A_279 = arith.constant 1 : i32
      "tpu.region"() ({
        %run_scoped3A_287 = tpu.sem_alloc : memref<!tpu.dma_semaphore, #tpu.memory_space<semaphore_mem>>
        %dma_start3A_288 = arith.constant 0 : i32
        %dma_start3A_289 = tpu.memref_slice %arg6[%run_scoped3A_278, %add3A_225, %run_scoped3A_279, %dma_start3A_288] : memref<2x26x2x128xi32, #tpu.memory_space<vmem>> -> memref<1x1x1x128xi32, #tpu.memory_space<vmem>>
        %dma_start3A_290 = tpu.memref_squeeze %dma_start3A_289 : memref<1x1x1x128xi32, #tpu.memory_space<vmem>> -> memref<128xi32, #tpu.memory_space<vmem>>
        %dma_start3A_291 = arith.constant 0 : i32
        %dma_start3A_292 = arith.constant 0 : i32
        %dma_start3A_293 = tpu.memref_slice %arg10[%dma_start3A_291, %dma_start3A_292] : memref<10240x128xf32, #tpu.memory_space<vmem_shared>> -> memref<10240x128xf32, #tpu.memory_space<vmem_shared>>
        tpu.enqueue_indirect_dma source(%arg8 : memref<128x128xf32, #tpu.memory_space<vmem>>) target(%dma_start3A_293 : memref<10240x128xf32, #tpu.memory_space<vmem_shared>>) offsets(%dma_start3A_290 : memref<128xi32, #tpu.memory_space<vmem>>) semaphore(%run_scoped3A_287 : memref<!tpu.dma_semaphore, #tpu.memory_space<semaphore_mem>>) {add = true}
        %dma_wait3A_294 = arith.constant 0 : i32
        %dma_wait3A_295 = tpu.memref_slice %arg6[%run_scoped3A_278, %add3A_225, %run_scoped3A_279, %dma_wait3A_294] : memref<2x26x2x128xi32, #tpu.memory_space<vmem>> -> memref<1x1x1x128xi32, #tpu.memory_space<vmem>>
        %dma_wait3A_296 = tpu.memref_squeeze %dma_wait3A_295 : memref<1x1x1x128xi32, #tpu.memory_space<vmem>> -> memref<128xi32, #tpu.memory_space<vmem>>
        %dma_wait3A_297 = arith.constant 0 : i32
        %dma_wait3A_298 = arith.constant 0 : i32
        %dma_wait3A_299 = tpu.memref_slice %arg10[%dma_wait3A_297, %dma_wait3A_298] : memref<10240x128xf32, #tpu.memory_space<vmem_shared>> -> memref<10240x128xf32, #tpu.memory_space<vmem_shared>>
        tpu.wait_indirect_dma semaphore(%run_scoped3A_287 : memref<!tpu.dma_semaphore, #tpu.memory_space<semaphore_mem>>) src(%arg8 : memref<128x128xf32, #tpu.memory_space<vmem>>) dst(%dma_wait3A_299 : memref<10240x128xf32, #tpu.memory_space<vmem_shared>>)
        tpu.yield
      }) : () -> ()
      %dma_start3A_280 = arith.constant 0 : i32
      %dma_start3A_281 = arith.constant 1 : i32
      %dma_start3A_282 = arith.constant 0 : i32
      %dma_start3A_283 = tpu.memref_slice %arg6[%dma_start3A_280, %add3A_225, %dma_start3A_281, %dma_start3A_282] : memref<2x26x2x128xi32, #tpu.memory_space<vmem>> -> memref<1x1x1x128xi32, #tpu.memory_space<vmem>>
      %dma_start3A_284 = tpu.memref_squeeze %dma_start3A_283 : memref<1x1x1x128xi32, #tpu.memory_space<vmem>> -> memref<128xi32, #tpu.memory_space<vmem>>
      %dma_start3A_285 = arith.constant 0 : i32
      %dma_start3A_286 = tpu.memref_slice %arg11[%dma_start3A_285] : memref<10240xf32, #tpu.memory_space<vmem_shared>> -> memref<10240xf32, #tpu.memory_space<vmem_shared>>
      tpu.enqueue_indirect_dma source(%arg9 : memref<128xf32, #tpu.memory_space<vmem>>) target(%dma_start3A_286 : memref<10240xf32, #tpu.memory_space<vmem_shared>>) offsets(%dma_start3A_284 : memref<128xi32, #tpu.memory_space<vmem>>) semaphore(%arg15 : memref<!tpu.dma_semaphore, #tpu.memory_space<semaphore_mem>>) {add = true}
    }
    %scan3A_211 = arith.constant 13 : i32
    %scan3A_212 = arith.constant 0 : i32
    %scan3A_213 = arith.constant 0 : i32
    %scan3A_214 = arith.constant 26 : i32
    %scan3A_215 = arith.addi %scan3A_213, %scan3A_214 : i32
    %scan3A_216 = arith.constant 1 : i32
    scf.for %scan3A_221 = %scan3A_213 to %scan3A_215 step %scan3A_216  : i32 {
      %dma_wait3A_222 = arith.constant 0 : i32
      %dma_wait3A_223 = arith.constant 0 : i32
      %dma_wait3A_224 = arith.constant 1 : i32
      %dma_wait3A_225 = arith.constant 0 : i32
      %dma_wait3A_226 = tpu.memref_slice %arg6[%dma_wait3A_222, %dma_wait3A_223, %dma_wait3A_224, %dma_wait3A_225] : memref<2x26x2x128xi32, #tpu.memory_space<vmem>> -> memref<1x1x1x128xi32, #tpu.memory_space<vmem>>
      %dma_wait3A_227 = tpu.memref_squeeze %dma_wait3A_226 : memref<1x1x1x128xi32, #tpu.memory_space<vmem>> -> memref<128xi32, #tpu.memory_space<vmem>>
      %dma_wait3A_228 = arith.constant 0 : i32
      %dma_wait3A_229 = tpu.memref_slice %arg11[%dma_wait3A_228] : memref<10240xf32, #tpu.memory_space<vmem_shared>> -> memref<10240xf32, #tpu.memory_space<vmem_shared>>
      tpu.wait_indirect_dma semaphore(%arg15 : memref<!tpu.dma_semaphore, #tpu.memory_space<semaphore_mem>>) src(%arg9 : memref<128xf32, #tpu.memory_space<vmem>>) dst(%dma_wait3A_229 : memref<10240xf32, #tpu.memory_space<vmem_shared>>)
    }
    %scan3A_217 = arith.constant 26 : i32
    %lt3A = arith.constant 4 : i32
    %lt3A_218 = arith.cmpi slt, %add3A, %lt3A : i32
    %convert_element_type3A = arith.extui %lt3A_218 : i1 to i32
    %cond3A = arith.constant 0 : i32
    %cond3A_219 = arith.cmpi ne, %convert_element_type3A, %cond3A : i32
    scf.if %cond3A_219 {
      %add3A_221 = arith.constant 2496 : i32
      %add3A_222 = arith.addi %add3A_221, %add3A : i32
      %run_scoped3A_223 = arith.constant 0 : i32
      "tpu.region"() ({
        %run_scoped3A_248 = tpu.sem_alloc : memref<!tpu.dma_semaphore, #tpu.memory_space<semaphore_mem>>
        %dma_start3A_249 = arith.constant 0 : i32
        %dma_start3A_250 = arith.constant 0 : i32
        %dma_start3A_251 = arith.constant 0 : i32
        %dma_start3A_252 = tpu.memref_slice %arg6[%run_scoped3A_223, %dma_start3A_249, %dma_start3A_250, %dma_start3A_251] : memref<2x26x2x128xi32, #tpu.memory_space<vmem>> -> memref<1x1x2x128xi32, #tpu.memory_space<vmem>>
        %dma_start3A_253 = tpu.memref_squeeze %dma_start3A_252 : memref<1x1x2x128xi32, #tpu.memory_space<vmem>> -> memref<1x2x128xi32, #tpu.memory_space<vmem>>
        %dma_start3A_254 = arith.constant 0 : i32
        %dma_start3A_255 = arith.constant 0 : i32
        %dma_start3A_256 = tpu.memref_slice %arg2[%add3A_222, %dma_start3A_254, %dma_start3A_255] : memref<2500x2x128xi32, #tpu.memory_space<hbm>> -> memref<1x2x128xi32, #tpu.memory_space<hbm>>
        %dma_start3A_257 = arith.constant 0 : i32
        %dma_start3A_258 = arith.constant 0 : i32
        %dma_start3A_259 = arith.constant 0 : i32
        %dma_start3A_260 = tpu.memref_slice %arg6[%run_scoped3A_223, %dma_start3A_257, %dma_start3A_258, %dma_start3A_259] : memref<2x26x2x128xi32, #tpu.memory_space<vmem>> -> memref<1x1x2x128xi32, #tpu.memory_space<vmem>>
        %dma_start3A_261 = tpu.memref_squeeze %dma_start3A_260 : memref<1x1x2x128xi32, #tpu.memory_space<vmem>> -> memref<1x2x128xi32, #tpu.memory_space<vmem>>
        %dma_start3A_262 = arith.constant 0 : i32
        %dma_start3A_263 = arith.constant 0 : i32
        %dma_start3A_264 = tpu.memref_slice %arg2[%add3A_222, %dma_start3A_262, %dma_start3A_263] : memref<2500x2x128xi32, #tpu.memory_space<hbm>> -> memref<1x2x128xi32, #tpu.memory_space<hbm>>
        tpu.enqueue_dma source(%dma_start3A_264 : memref<1x2x128xi32, #tpu.memory_space<hbm>>) target(%dma_start3A_261 : memref<1x2x128xi32, #tpu.memory_space<vmem>>) target_semaphore(%run_scoped3A_248 : memref<!tpu.dma_semaphore, #tpu.memory_space<semaphore_mem>>)
        %dma_wait3A_265 = arith.constant 0 : i32
        %dma_wait3A_266 = arith.constant 0 : i32
        %dma_wait3A_267 = arith.constant 0 : i32
        %dma_wait3A_268 = tpu.memref_slice %arg6[%run_scoped3A_223, %dma_wait3A_265, %dma_wait3A_266, %dma_wait3A_267] : memref<2x26x2x128xi32, #tpu.memory_space<vmem>> -> memref<1x1x2x128xi32, #tpu.memory_space<vmem>>
        %dma_wait3A_269 = tpu.memref_squeeze %dma_wait3A_268 : memref<1x1x2x128xi32, #tpu.memory_space<vmem>> -> memref<1x2x128xi32, #tpu.memory_space<vmem>>
        %dma_wait3A_270 = arith.constant 0 : i32
        %dma_wait3A_271 = arith.constant 0 : i32
        %dma_wait3A_272 = tpu.memref_slice %arg2[%add3A_222, %dma_wait3A_270, %dma_wait3A_271] : memref<2500x2x128xi32, #tpu.memory_space<hbm>> -> memref<1x2x128xi32, #tpu.memory_space<hbm>>
        %dma_wait3A_273 = arith.constant 0 : i32
        %dma_wait3A_274 = arith.constant 0 : i32
        %dma_wait3A_275 = arith.constant 0 : i32
        %dma_wait3A_276 = tpu.memref_slice %arg6[%run_scoped3A_223, %dma_wait3A_273, %dma_wait3A_274, %dma_wait3A_275] : memref<2x26x2x128xi32, #tpu.memory_space<vmem>> -> memref<1x1x2x128xi32, #tpu.memory_space<vmem>>
        %dma_wait3A_277 = tpu.memref_squeeze %dma_wait3A_276 : memref<1x1x2x128xi32, #tpu.memory_space<vmem>> -> memref<1x2x128xi32, #tpu.memory_space<vmem>>
        %dma_wait3A_278 = arith.constant 0 : i32
        %dma_wait3A_279 = arith.constant 0 : i32
        %dma_wait3A_280 = tpu.memref_slice %arg2[%add3A_222, %dma_wait3A_278, %dma_wait3A_279] : memref<2500x2x128xi32, #tpu.memory_space<hbm>> -> memref<1x2x128xi32, #tpu.memory_space<hbm>>
        tpu.wait_dma2 semaphore(%run_scoped3A_248 : memref<!tpu.dma_semaphore, #tpu.memory_space<semaphore_mem>>) src(%dma_wait3A_280 : memref<1x2x128xi32, #tpu.memory_space<hbm>>) dst(%dma_wait3A_277 : memref<1x2x128xi32, #tpu.memory_space<vmem>>)
        tpu.yield
      }) : () -> ()
      %dma_start3A_224 = arith.constant 0 : i32
      %dma_start3A_225 = arith.constant 0 : i32
      %dma_start3A_226 = arith.constant 0 : i32
      %dma_start3A_227 = arith.constant 0 : i32
      %dma_start3A_228 = tpu.memref_slice %arg6[%dma_start3A_224, %dma_start3A_225, %dma_start3A_226, %dma_start3A_227] : memref<2x26x2x128xi32, #tpu.memory_space<vmem>> -> memref<1x1x1x128xi32, #tpu.memory_space<vmem>>
      %dma_start3A_229 = tpu.memref_squeeze %dma_start3A_228 : memref<1x1x1x128xi32, #tpu.memory_space<vmem>> -> memref<128xi32, #tpu.memory_space<vmem>>
      %dma_start3A_230 = arith.constant 0 : i32
      %dma_start3A_231 = arith.constant 0 : i32
      %dma_start3A_232 = tpu.memref_slice %arg3[%dma_start3A_230, %dma_start3A_231] : memref<10000x128xf32, #tpu.memory_space<hbm>> -> memref<10000x128xf32, #tpu.memory_space<hbm>>
      tpu.enqueue_indirect_dma source(%dma_start3A_232 : memref<10000x128xf32, #tpu.memory_space<hbm>>) target(%arg7 : memref<128x128xf32, #tpu.memory_space<vmem>>) offsets(%dma_start3A_229 : memref<128xi32, #tpu.memory_space<vmem>>) semaphore(%arg12 : memref<!tpu.dma_semaphore, #tpu.memory_space<semaphore_mem>>)
      %dma_wait3A_233 = arith.constant 0 : i32
      %dma_wait3A_234 = arith.constant 0 : i32
      %dma_wait3A_235 = arith.constant 0 : i32
      %dma_wait3A_236 = arith.constant 0 : i32
      %dma_wait3A_237 = tpu.memref_slice %arg6[%dma_wait3A_233, %dma_wait3A_234, %dma_wait3A_235, %dma_wait3A_236] : memref<2x26x2x128xi32, #tpu.memory_space<vmem>> -> memref<1x1x1x128xi32, #tpu.memory_space<vmem>>
      %dma_wait3A_238 = tpu.memref_squeeze %dma_wait3A_237 : memref<1x1x1x128xi32, #tpu.memory_space<vmem>> -> memref<128xi32, #tpu.memory_space<vmem>>
      %dma_wait3A_239 = arith.constant 0 : i32
      %dma_wait3A_240 = arith.constant 0 : i32
      %dma_wait3A_241 = tpu.memref_slice %arg3[%dma_wait3A_239, %dma_wait3A_240] : memref<10000x128xf32, #tpu.memory_space<hbm>> -> memref<10000x128xf32, #tpu.memory_space<hbm>>
      tpu.wait_indirect_dma semaphore(%arg12 : memref<!tpu.dma_semaphore, #tpu.memory_space<semaphore_mem>>) src(%dma_wait3A_241 : memref<10000x128xf32, #tpu.memory_space<hbm>>) dst(%arg7 : memref<128x128xf32, #tpu.memory_space<vmem>>)
      %run_scoped3A_242 = arith.constant 0 : i32
      %run_scoped3A_243 = arith.constant 0 : i32
      %run_scoped3A_244 = arith.constant 1 : i32
      "tpu.region"() ({
        %run_scoped3A_248 = tpu.sem_alloc : memref<!tpu.dma_semaphore, #tpu.memory_space<semaphore_mem>>
        %dma_start3A_249 = arith.constant 0 : i32
        %dma_start3A_250 = tpu.memref_slice %arg6[%run_scoped3A_242, %run_scoped3A_243, %run_scoped3A_244, %dma_start3A_249] : memref<2x26x2x128xi32, #tpu.memory_space<vmem>> -> memref<1x1x1x128xi32, #tpu.memory_space<vmem>>
        %dma_start3A_251 = tpu.memref_squeeze %dma_start3A_250 : memref<1x1x1x128xi32, #tpu.memory_space<vmem>> -> memref<128xi32, #tpu.memory_space<vmem>>
        %dma_start3A_252 = arith.constant 0 : i32
        %dma_start3A_253 = arith.constant 0 : i32
        %dma_start3A_254 = tpu.memref_slice %arg10[%dma_start3A_252, %dma_start3A_253] : memref<10240x128xf32, #tpu.memory_space<vmem_shared>> -> memref<10240x128xf32, #tpu.memory_space<vmem_shared>>
        tpu.enqueue_indirect_dma source(%arg7 : memref<128x128xf32, #tpu.memory_space<vmem>>) target(%dma_start3A_254 : memref<10240x128xf32, #tpu.memory_space<vmem_shared>>) offsets(%dma_start3A_251 : memref<128xi32, #tpu.memory_space<vmem>>) semaphore(%run_scoped3A_248 : memref<!tpu.dma_semaphore, #tpu.memory_space<semaphore_mem>>) {add = true}
        %dma_wait3A_255 = arith.constant 0 : i32
        %dma_wait3A_256 = tpu.memref_slice %arg6[%run_scoped3A_242, %run_scoped3A_243, %run_scoped3A_244, %dma_wait3A_255] : memref<2x26x2x128xi32, #tpu.memory_space<vmem>> -> memref<1x1x1x128xi32, #tpu.memory_space<vmem>>
        %dma_wait3A_257 = tpu.memref_squeeze %dma_wait3A_256 : memref<1x1x1x128xi32, #tpu.memory_space<vmem>> -> memref<128xi32, #tpu.memory_space<vmem>>
        %dma_wait3A_258 = arith.constant 0 : i32
        %dma_wait3A_259 = arith.constant 0 : i32
        %dma_wait3A_260 = tpu.memref_slice %arg10[%dma_wait3A_258, %dma_wait3A_259] : memref<10240x128xf32, #tpu.memory_space<vmem_shared>> -> memref<10240x128xf32, #tpu.memory_space<vmem_shared>>
        tpu.wait_indirect_dma semaphore(%run_scoped3A_248 : memref<!tpu.dma_semaphore, #tpu.memory_space<semaphore_mem>>) src(%arg7 : memref<128x128xf32, #tpu.memory_space<vmem>>) dst(%dma_wait3A_260 : memref<10240x128xf32, #tpu.memory_space<vmem_shared>>)
        tpu.yield
      }) : () -> ()
      %run_scoped3A_245 = arith.constant 0 : i32
      %run_scoped3A_246 = arith.constant 0 : i32
      %run_scoped3A_247 = arith.constant 1 : i32
      "tpu.region"() ({
        %run_scoped3A_248 = tpu.sem_alloc : memref<!tpu.dma_semaphore, #tpu.memory_space<semaphore_mem>>
        %dma_start3A_249 = arith.constant 0 : i32
        %dma_start3A_250 = tpu.memref_slice %arg6[%run_scoped3A_245, %run_scoped3A_246, %run_scoped3A_247, %dma_start3A_249] : memref<2x26x2x128xi32, #tpu.memory_space<vmem>> -> memref<1x1x1x128xi32, #tpu.memory_space<vmem>>
        %dma_start3A_251 = tpu.memref_squeeze %dma_start3A_250 : memref<1x1x1x128xi32, #tpu.memory_space<vmem>> -> memref<128xi32, #tpu.memory_space<vmem>>
        %dma_start3A_252 = arith.constant 0 : i32
        %dma_start3A_253 = tpu.memref_slice %arg11[%dma_start3A_252] : memref<10240xf32, #tpu.memory_space<vmem_shared>> -> memref<10240xf32, #tpu.memory_space<vmem_shared>>
        tpu.enqueue_indirect_dma source(%arg9 : memref<128xf32, #tpu.memory_space<vmem>>) target(%dma_start3A_253 : memref<10240xf32, #tpu.memory_space<vmem_shared>>) offsets(%dma_start3A_251 : memref<128xi32, #tpu.memory_space<vmem>>) semaphore(%run_scoped3A_248 : memref<!tpu.dma_semaphore, #tpu.memory_space<semaphore_mem>>) {add = true}
        %dma_wait3A_254 = arith.constant 0 : i32
        %dma_wait3A_255 = tpu.memref_slice %arg6[%run_scoped3A_245, %run_scoped3A_246, %run_scoped3A_247, %dma_wait3A_254] : memref<2x26x2x128xi32, #tpu.memory_space<vmem>> -> memref<1x1x1x128xi32, #tpu.memory_space<vmem>>
        %dma_wait3A_256 = tpu.memref_squeeze %dma_wait3A_255 : memref<1x1x1x128xi32, #tpu.memory_space<vmem>> -> memref<128xi32, #tpu.memory_space<vmem>>
        %dma_wait3A_257 = arith.constant 0 : i32
        %dma_wait3A_258 = tpu.memref_slice %arg11[%dma_wait3A_257] : memref<10240xf32, #tpu.memory_space<vmem_shared>> -> memref<10240xf32, #tpu.memory_space<vmem_shared>>
        tpu.wait_indirect_dma semaphore(%run_scoped3A_248 : memref<!tpu.dma_semaphore, #tpu.memory_space<semaphore_mem>>) src(%arg9 : memref<128xf32, #tpu.memory_space<vmem>>) dst(%dma_wait3A_258 : memref<10240xf32, #tpu.memory_space<vmem_shared>>)
        tpu.yield
      }) : () -> ()
    } else {
    }
    %barrier3A_220 = arith.constant 0 : index
    tpu.barrier barrier_id(%barrier3A_220)
    "tpu.region"() ({
      %run_scoped3A_221 = tpu.sem_alloc : memref<!tpu.dma_semaphore, #tpu.memory_space<semaphore_mem>>
      %dma_start3A_222 = arith.constant 0 : i32
      %dma_start3A_223 = tpu.memref_slice %arg4[%arg0, %mul3A_2, %dma_start3A_222] : memref<2x10240x128xf32, #tpu.memory_space<hbm>> -> memref<1x640x128xf32, #tpu.memory_space<hbm>>
      %dma_start3A_224 = tpu.memref_squeeze %dma_start3A_223 : memref<1x640x128xf32, #tpu.memory_space<hbm>> -> memref<640x128xf32, #tpu.memory_space<hbm>>
      %dma_start3A_225 = arith.constant 0 : i32
      %dma_start3A_226 = tpu.memref_slice %arg10[%mul3A_2, %dma_start3A_225] : memref<10240x128xf32, #tpu.memory_space<vmem_shared>> -> memref<640x128xf32, #tpu.memory_space<vmem_shared>>
      tpu.enqueue_dma source(%dma_start3A_226 : memref<640x128xf32, #tpu.memory_space<vmem_shared>>) target(%dma_start3A_224 : memref<640x128xf32, #tpu.memory_space<hbm>>) target_semaphore(%run_scoped3A_221 : memref<!tpu.dma_semaphore, #tpu.memory_space<semaphore_mem>>)
      %dma_wait3A_227 = arith.constant 0 : i32
      %dma_wait3A_228 = tpu.memref_slice %arg4[%arg0, %mul3A_2, %dma_wait3A_227] : memref<2x10240x128xf32, #tpu.memory_space<hbm>> -> memref<1x640x128xf32, #tpu.memory_space<hbm>>
      %dma_wait3A_229 = tpu.memref_squeeze %dma_wait3A_228 : memref<1x640x128xf32, #tpu.memory_space<hbm>> -> memref<640x128xf32, #tpu.memory_space<hbm>>
      %dma_wait3A_230 = arith.constant 0 : i32
      %dma_wait3A_231 = tpu.memref_slice %arg10[%mul3A_2, %dma_wait3A_230] : memref<10240x128xf32, #tpu.memory_space<vmem_shared>> -> memref<640x128xf32, #tpu.memory_space<vmem_shared>>
      tpu.wait_dma2 semaphore(%run_scoped3A_221 : memref<!tpu.dma_semaphore, #tpu.memory_space<semaphore_mem>>) src(%dma_wait3A_231 : memref<640x128xf32, #tpu.memory_space<vmem_shared>>) dst(%dma_wait3A_229 : memref<640x128xf32, #tpu.memory_space<hbm>>)
      tpu.yield
    }) : () -> ()
    "tpu.region"() ({
      %run_scoped3A_221 = tpu.sem_alloc : memref<!tpu.dma_semaphore, #tpu.memory_space<semaphore_mem>>
      %dma_start3A_222 = tpu.memref_slice %arg5[%arg0, %mul3A_2] : memref<2x10240xf32, #tpu.memory_space<hbm>> -> memref<1x640xf32, #tpu.memory_space<hbm>>
      %dma_start3A_223 = tpu.memref_squeeze %dma_start3A_222 : memref<1x640xf32, #tpu.memory_space<hbm>> -> memref<640xf32, #tpu.memory_space<hbm>>
      %dma_start3A_224 = tpu.memref_slice %arg11[%mul3A_2] : memref<10240xf32, #tpu.memory_space<vmem_shared>> -> memref<640xf32, #tpu.memory_space<vmem_shared>>
      tpu.enqueue_dma source(%dma_start3A_224 : memref<640xf32, #tpu.memory_space<vmem_shared>>) target(%dma_start3A_223 : memref<640xf32, #tpu.memory_space<hbm>>) target_semaphore(%run_scoped3A_221 : memref<!tpu.dma_semaphore, #tpu.memory_space<semaphore_mem>>)
      %dma_wait3A_225 = tpu.memref_slice %arg5[%arg0, %mul3A_2] : memref<2x10240xf32, #tpu.memory_space<hbm>> -> memref<1x640xf32, #tpu.memory_space<hbm>>
      %dma_wait3A_226 = tpu.memref_squeeze %dma_wait3A_225 : memref<1x640xf32, #tpu.memory_space<hbm>> -> memref<640xf32, #tpu.memory_space<hbm>>
      %dma_wait3A_227 = tpu.memref_slice %arg11[%mul3A_2] : memref<10240xf32, #tpu.memory_space<vmem_shared>> -> memref<640xf32, #tpu.memory_space<vmem_shared>>
      tpu.wait_dma2 semaphore(%run_scoped3A_221 : memref<!tpu.dma_semaphore, #tpu.memory_space<semaphore_mem>>) src(%dma_wait3A_227 : memref<640xf32, #tpu.memory_space<vmem_shared>>) dst(%dma_wait3A_226 : memref<640xf32, #tpu.memory_space<hbm>>)
      tpu.yield
    }) : () -> ()
    return
  }
}

module attributes {stable_mosaic.version = 14 : i64} {
  func.func @body(%arg0: i32, %arg1: memref<2000x128xf32, #tpu.memory_space<vmem>>, %arg2: memref<1x2000x128xf32, #tpu.memory_space<vmem>>, %arg3: memref<1x2000x128xf32, #tpu.memory_space<vmem>>, %arg4: memref<1x2000x1xf32, #tpu.memory_space<vmem>>, %arg5: memref<1x2000x1xf32, #tpu.memory_space<vmem>>, %arg6: memref<256x128xf32, #tpu.memory_space<vmem>>, %arg7: memref<1x128xf32, #tpu.memory_space<vmem>>, %arg8: memref<2000x128xf32, #tpu.memory_space<vmem>>) attributes {dimension_semantics = [#tpu.dimension_semantics<arbitrary>], iteration_bounds = array<i64: 5>, scalar_prefetch = 0 : i64, scratch_operands = 0 : i64, tpu.core_type = #tpu.core_type<tc>, window_params = [{transform_indices = @transform_0, window_bounds = array<i64: 2000, 128>}, {transform_indices = @transform_1, window_bounds = array<i64: 1, 2000, 128>}, {transform_indices = @transform_2, window_bounds = array<i64: 1, 2000, 128>}, {transform_indices = @transform_3, window_bounds = array<i64: 1, 2000, 1>}, {transform_indices = @transform_4, window_bounds = array<i64: 1, 2000, 1>}, {pipeline_mode = #tpu.pipeline_mode<synchronous>, transform_indices = @transform_5, window_bounds = array<i64: 256, 128>}, {pipeline_mode = #tpu.pipeline_mode<synchronous>, transform_indices = @transform_6, window_bounds = array<i64: 1, 128>}, {transform_indices = @transform_7, window_bounds = array<i64: 2000, 128>}]} {
    %get3A = arith.constant 0 : index
    %get3A_0 = arith.constant 0 : index
    %get3A_1 = arith.constant 0 : index
    %get3A_2 = vector.load %arg4[%get3A, %get3A_0, %get3A_1] : memref<1x2000x1xf32, #tpu.memory_space<vmem>>, vector<1x2000x1xf32>
    %get3A_3 = vector.shape_cast %get3A_2 : vector<1x2000x1xf32> to vector<2000x1xf32>
    %get3A_4 = arith.constant 0 : index
    %get3A_5 = arith.constant 0 : index
    %get3A_6 = arith.constant 0 : index
    %get3A_7 = vector.load %arg5[%get3A_4, %get3A_5, %get3A_6] : memref<1x2000x1xf32, #tpu.memory_space<vmem>>, vector<1x2000x1xf32>
    %get3A_8 = vector.shape_cast %get3A_7 : vector<1x2000x1xf32> to vector<2000x1xf32>
    %add3A = arith.addf %get3A_3, %get3A_8 : vector<2000x1xf32>
    %max3A = arith.constant 1.000000e+00 : f32
    %max3A_9 = vector.broadcast %max3A : f32 to vector<2000x1xf32>
    %max3A_10 = arith.maximumf %add3A, %max3A_9 : vector<2000x1xf32>
    %get3A_11 = arith.constant 0 : index
    %get3A_12 = arith.constant 0 : index
    %get3A_13 = arith.constant 0 : index
    %get3A_14 = vector.load %arg2[%get3A_11, %get3A_12, %get3A_13] : memref<1x2000x128xf32, #tpu.memory_space<vmem>>, vector<1x2000x128xf32>
    %get3A_15 = vector.shape_cast %get3A_14 : vector<1x2000x128xf32> to vector<2000x128xf32>
    %get3A_16 = arith.constant 0 : index
    %get3A_17 = arith.constant 0 : index
    %get3A_18 = arith.constant 0 : index
    %get3A_19 = vector.load %arg3[%get3A_16, %get3A_17, %get3A_18] : memref<1x2000x128xf32, #tpu.memory_space<vmem>>, vector<1x2000x128xf32>
    %get3A_20 = vector.shape_cast %get3A_19 : vector<1x2000x128xf32> to vector<2000x128xf32>
    %add3A_21 = arith.addf %get3A_15, %get3A_20 : vector<2000x128xf32>
    %div3A = vector.broadcast %max3A_10 : vector<2000x1xf32> to vector<2000x128xf32>
    %div3A_22 = arith.divf %add3A_21, %div3A : vector<2000x128xf32>
    %get3A_23 = arith.constant 0 : index
    %get3A_24 = arith.constant 0 : index
    %get3A_25 = vector.load %arg1[%get3A_23, %get3A_24] : memref<2000x128xf32, #tpu.memory_space<vmem>>, vector<2000x128xf32>
    %get3A_26 = arith.constant 0 : index
    %get3A_27 = arith.constant 0 : index
    %get3A_28 = vector.load %arg6[%get3A_26, %get3A_27] : memref<256x128xf32, #tpu.memory_space<vmem>>, vector<128x128xf32>
    %dot_general3A = arith.constant dense<0.000000e+00> : vector<2000x128xf32>
    %dot_general3A_29 = tpu.matmul %get3A_25, %get3A_28, %dot_general3A {dimension_numbers = #tpu.dot_dimension_numbers<[1], [0], [0], [1], [0, 0, 1, 1], [], []>, transpose_lhs_hint = false} : vector<2000x128xf32>, vector<128x128xf32>, vector<2000x128xf32> -> vector<2000x128xf32>
    %get3A_30 = arith.constant 128 : index
    %get3A_31 = arith.constant 0 : index
    %get3A_32 = vector.load %arg6[%get3A_30, %get3A_31] : memref<256x128xf32, #tpu.memory_space<vmem>>, vector<128x128xf32>
    %dot_general3A_33 = arith.constant dense<0.000000e+00> : vector<2000x128xf32>
    %dot_general3A_34 = tpu.matmul %div3A_22, %get3A_32, %dot_general3A_33 {dimension_numbers = #tpu.dot_dimension_numbers<[1], [0], [0], [1], [0, 0, 1, 1], [], []>, transpose_lhs_hint = false} : vector<2000x128xf32>, vector<128x128xf32>, vector<2000x128xf32> -> vector<2000x128xf32>
    %add3A_35 = arith.addf %dot_general3A_29, %dot_general3A_34 : vector<2000x128xf32>
    %get3A_36 = arith.constant 0 : index
    %get3A_37 = arith.constant 0 : index
    %get3A_38 = vector.load %arg7[%get3A_36, %get3A_37] : memref<1x128xf32, #tpu.memory_space<vmem>>, vector<1x128xf32>
    %add3A_39 = vector.broadcast %get3A_38 : vector<1x128xf32> to vector<2000x128xf32>
    %add3A_40 = arith.addf %add3A_35, %add3A_39 : vector<2000x128xf32>
    %swap3A = arith.constant 0 : index
    %swap3A_41 = arith.constant 0 : index
    %swap3A_42 = vector.load %arg8[%swap3A, %swap3A_41] : memref<2000x128xf32, #tpu.memory_space<vmem>>, vector<2000x128xf32>
    tpu.vector_store %arg8[%swap3A, %swap3A_41], %add3A_40 {strides = array<i32>} : memref<2000x128xf32, #tpu.memory_space<vmem>>, vector<2000x128xf32>,
    return
  }
  func.func @transform_0(%arg0: i32) -> (i32, i32) {
    %c0_i32 = arith.constant 0 : i32
    %c0_i32_0 = arith.constant 0 : i32
    return %arg0, %c0_i32 : i32, i32
  }
  func.func @transform_1(%arg0: i32) -> (i32, i32, i32) {
    %c0_i32 = arith.constant 0 : i32
    %c0_i32_0 = arith.constant 0 : i32
    %c0_i32_1 = arith.constant 0 : i32
    return %c0_i32, %arg0, %c0_i32_0 : i32, i32, i32
  }
  func.func @transform_2(%arg0: i32) -> (i32, i32, i32) {
    %c1_i32 = arith.constant 1 : i32
    %c0_i32 = arith.constant 0 : i32
    %c0_i32_0 = arith.constant 0 : i32
    return %c1_i32, %arg0, %c0_i32 : i32, i32, i32
  }
  func.func @transform_3(%arg0: i32) -> (i32, i32, i32) {
    %c0_i32 = arith.constant 0 : i32
    %c0_i32_0 = arith.constant 0 : i32
    %c0_i32_1 = arith.constant 0 : i32
    return %c0_i32, %arg0, %c0_i32_0 : i32, i32, i32
  }
  func.func @transform_4(%arg0: i32) -> (i32, i32, i32) {
    %c1_i32 = arith.constant 1 : i32
    %c0_i32 = arith.constant 0 : i32
    %c0_i32_0 = arith.constant 0 : i32
    return %c1_i32, %arg0, %c0_i32 : i32, i32, i32
  }
  func.func @transform_5(%arg0: i32) -> (i32, i32) {
    %c0_i32 = arith.constant 0 : i32
    %c0_i32_0 = arith.constant 0 : i32
    %c0_i32_1 = arith.constant 0 : i32
    return %c0_i32, %c0_i32_0 : i32, i32
  }
  func.func @transform_6(%arg0: i32) -> (i32, i32) {
    %c0_i32 = arith.constant 0 : i32
    %c0_i32_0 = arith.constant 0 : i32
    %c0_i32_1 = arith.constant 0 : i32
    return %c0_i32, %c0_i32_0 : i32, i32
  }
  func.func @transform_7(%arg0: i32) -> (i32, i32) {
    %c0_i32 = arith.constant 0 : i32
    %c0_i32_0 = arith.constant 0 : i32
    return %arg0, %c0_i32 : i32, i32
  }
}

</mosaic_0001>

<sc_bundles>
// kernel: kernel.4.cloned.1.call-start
scs
__scs_entry_jumppad:
0x0: {  	(pc) =	sbr.rel $0x88, $3  }
0x1: {  	(tag) =	ssettag $0x0;
	lr =	simm.s32 $0x1  }
0x2: {  	[smem:$0x3F9D] =	sst lr;
	_ =	strace $0xD0000000  }
0x3: {  	_ = 	snop  }
0x4: {  	_ = 	snop  }
0x5: {  	_ = 	snop  }
0x6: {  	_ = 	snop  }
0x7: {  	_ = 	snop  }
__scs_overlays_trampoline_lowered:
0x8: {  	[smem:$0x3FAC] =	sst s0  }
0x9: {  	[smem:$0x3FAD] =	sst s1  }
0xa: {  	[smem:$0x3FAE] =	sst s2  }
0xb: {  	[smem:$0x3FAF] =	sst s3  }
0xc: {  	[smem:$0x3FB0] =	sst s4  }
0xd: {  	[smem:$0x3FB1] =	sst s5  }
0xe: {  	[smem:$0x3FB2] =	sst s6  }
0xf: {  	[smem:$0x3FB3] =	sst s7  }
0x10: {  	[smem:$0x3FB4] =	sst s8  }
0x11: {  	[smem:$0x3FB5] =	sst s9;
	s0 =	simm.s32 @!p0 $0x0  }
0x12: {  	s1 =	sld [smem:$0x3F9B];
	s0 =	simm.s32 @p0 $0x1  }
0x13: {  	[smem:$0x3FB6] =	sst s0;
	s0 =	simm.s32 @!p1 $0x0  }
0x14: {  	s2 =	sld [smem:$0x3F9A];
	s0 =	simm.s32 @p1 $0x1  }
0x15: {  	[smem:$0x3FB7] =	sst s0;
	s0 =	simm.s32 @!p2 $0x0  }
0x16: {  	s3 =	sld [smem:$0x3FDB];
	s0 =	simm.s32 @p2 $0x1  }
0x17: {  	s4 =	simm.s32 $0x1BF5;
	[smem:$0x3FB9] =	sst s0  }
0x18: {  	s0 =	sld [smem:$0x3F9C];
	_ =	swait.ge [sflag:s4], $0x0  }
0x19: {  	s7 =	sld [smem:$0x3F9D]  }
0x1a: {  	s8 =	sadd.s32 $0xFFFFE003, lr  }
0x1b: {  	s9 =	sadd.s32 $0xFFFFFEF7, lr;
	s5 =	simm.s32 $0xFFFFFFFF;
	p2 =	slt.u32 s8, $0xFFFFF086  }
0x1c: {  	p1 =	slt.u32 s9, $0xF7A;
	s5 =	simm.s32 @!p2 $0x0  }
0x1d: {  	s5 =	simm.s32 @p1 $0x1;
	p0 =	seq.s32 s7, s2  }
0x1e: {  	s7 =	smul.u32 @!p0 $0xF7A, s2;
	p2 =	seq.s32 @!p0 s5, $0x0  }
0x1f: {  	s9 =	smul.u32 $0xF7A, s1;
	s8 =	simm.s32 @!p0 $0x1BF5;
	p2 =	por !p2, p0  }
0x20: {  	[sflag:s8] =	ssyncset.s32 @!p0 $0xFFFFF086;
	s6 =	sadd.s32 @!p0 s3, s7;
	s7 =	simm.s32 @!p0 $0x108  }
0x21: {  	s3 =	sadd.s32 s3, s9;
	s6 =	sadd.s32 @!p0 $0x88, s6;
	s7 =	simm.s32 @p2 $0x1082  }
0x22: {  	[simem:s7], [sflag:s8] =	dma.local @!p0 [hbm:s6], $0xF7A  }
0x23: {  	s9 =	sor.u32 $0xD0000000, s2;
	s6 =	simm.s32 $0x108;
	_ =	swait.ge @!p0 [sflag:s8], $0x0  }
0x24: {  	s3 =	sadd.s32 $0x88, s3;
	s6 =	simm.s32 @!p1 $0x1082;
	[sflag:s4] =	ssyncset.s32 $0xFFFFF086  }
0x25: {  	[simem:s6], [sflag:s4] =	dma.local [hbm:s3], $0xF7A  }
0x26: {  	[smem:$0x3F9D] =	sst s1;
	(tag) =	ssettag s2;
	_ =	strace s9  }
0x27: {  	s1 =	sld [smem:$0x3FAD]  }
0x28: {  	s2 =	sld [smem:$0x3FAE]  }
0x29: {  	s4 =	sld [smem:$0x3FB0]  }
0x2a: {  	p0 =	seq.s32 s5, $0x0;
	s5 =	sld [smem:$0x3FB1]  }
0x2b: {  	s6 =	sld [smem:$0x3FB2]  }
0x2c: {  	s7 =	sld [smem:$0x3FB3]  }
0x2d: {  	s3 =	simm.s32 $0x108;
	s8 =	sld [smem:$0x3FB4]  }
0x2e: {  	s3 =	simm.s32 @!p0 $0x1082;
	s9 =	sld [smem:$0x3FB5]  }
0x2f: {  	lr =	sadd.s32 s0, s3;
	s0 =	sld [smem:$0x3FAC]  }
0x30: {  	s3 =	sld [smem:$0x3FAF]  }
0x31: {  	[smem:$0x3FB8] =	sst s10  }
0x32: {  	s10 =	sld [smem:$0x3FB6];
	_ =	sdelay $0x3  }
0x33: {  	p0 =	seq.s32 s10, $0x1;
	s10 =	sld [smem:$0x3FB8];
	_ =	sdelay $0x3  }
0x34: {  	[smem:$0x3FB8] =	sst s10  }
0x35: {  	s10 =	sld [smem:$0x3FB7];
	_ =	sdelay $0x3  }
0x36: {  	p1 =	seq.s32 s10, $0x1;
	s10 =	sld [smem:$0x3FB8];
	_ =	sdelay $0x3  }
0x37: {  	[smem:$0x3FB8] =	sst s10  }
0x38: {  	s10 =	sld [smem:$0x3FB9]  }
0x39: {  	_ = 	snop;
	(pc) =	sbr.ind lr, $3  }
0x3a: {  	_ = 	snop  }
0x3b: {  	_ = 	snop  }
0x3c: {  	p2 =	seq.s32 s10, $0x1;
	s10 =	sld [smem:$0x3FB8]  }
0x3d: {  	_ =	shalt  }
0x3e: {  	_ =	shalt  }
0x3f: {  	_ =	shalt  }
0x40: {  	_ =	shalt  }
0x41: {  	_ =	shalt  }
0x42: {  	_ =	shalt  }
0x43: {  	_ =	shalt  }
0x44: {  	_ =	shalt  }
0x45: {  	_ =	shalt  }
0x46: {  	_ =	shalt  }
0x47: {  	_ =	shalt  }
0x48: {  	_ =	shalt  }
0x49: {  	_ =	shalt  }
0x4a: {  	_ =	shalt  }
0x4b: {  	_ =	shalt  }
0x4c: {  	_ =	shalt  }
0x4d: {  	_ =	shalt  }
0x4e: {  	_ =	shalt  }
0x4f: {  	_ =	shalt  }
0x50: {  	_ =	shalt  }
0x51: {  	_ =	shalt  }
0x52: {  	_ =	shalt  }
0x53: {  	_ =	shalt  }
0x54: {  	_ =	shalt  }
0x55: {  	_ =	shalt  }
0x56: {  	_ =	shalt  }
0x57: {  	_ =	shalt  }
0x58: {  	_ =	shalt  }
0x59: {  	_ =	shalt  }
0x5a: {  	_ =	shalt  }
0x5b: {  	_ =	shalt  }
0x5c: {  	_ =	shalt  }
0x5d: {  	_ =	shalt  }
0x5e: {  	_ =	shalt  }
0x5f: {  	_ =	shalt  }
0x60: {  	_ =	shalt  }
0x61: {  	_ =	shalt  }
0x62: {  	_ =	shalt  }
0x63: {  	_ =	shalt  }
0x64: {  	_ =	shalt  }
0x65: {  	_ =	shalt  }
0x66: {  	_ =	shalt  }
0x67: {  	_ =	shalt  }
0x68: {  	_ =	shalt  }
0x69: {  	_ =	shalt  }
0x6a: {  	_ =	shalt  }
0x6b: {  	_ =	shalt  }
0x6c: {  	_ =	shalt  }
0x6d: {  	_ =	shalt  }
0x6e: {  	_ =	shalt  }
0x6f: {  	_ =	shalt  }
0x70: {  	_ =	shalt  }
0x71: {  	_ =	shalt  }
0x72: {  	_ =	shalt  }
0x73: {  	_ =	shalt  }
0x74: {  	_ =	shalt  }
0x75: {  	_ =	shalt  }
0x76: {  	_ =	shalt  }
0x77: {  	_ =	shalt  }
0x78: {  	_ =	shalt  }
0x79: {  	_ =	shalt  }
0x7a: {  	_ =	shalt  }
0x7b: {  	_ =	shalt  }
0x7c: {  	_ =	shalt  }
0x7d: {  	_ =	shalt  }
0x7e: {  	_ =	shalt  }
0x7f: {  	_ =	shalt  }
0x80: {  	_ =	shalt  }
0x81: {  	_ =	shalt  }
0x82: {  	_ =	shalt  }
0x83: {  	_ =	shalt  }
0x84: {  	_ =	shalt  }
0x85: {  	_ =	shalt  }
0x86: {  	_ =	shalt  }
0x87: {  	_ =	shalt  }
.Lfunc_end0:
.L_simem_size_0:
called_computation_lowered:
.L_overlay_start_0:
0x88: {  	s2 =	sld [smem:$0x3FD9]  }
0x89: {  	s3 =	sld [smem:$0x3FFE];
	_ =	sdelay $0x1  }
0x8a: {  	s1 =	srdreg.scid  }
0x8b: {  	s0 =	sand.u32 $0x1, s1  }
0x8c: {  	s14 =	sshll.u32 s0, $0xA;
	s2 =	sadd.s32 s3, s2  }
0x8d: {  	s2 =	sadd.s32 s2, s14  }
0x8e: {  	[smem:$0x3FC4] =	sst s2  }
0x8f: {  	_ = 	snop  }
0x90: {  	s2 =	sld [smem:$0x3FD0];
	_ =	sdelay $0x2  }
0x91: {  	s4 =	simm.s32 $0xA;
	s5 =	simm.s32 $0x10;
	s15 =	sld [smem:$0x3FC9]  }
0x92: {  	[smem:s5], [sflag:s4] =	dma.local [hbm:s2], $0x1  }
0x93: {  	_ =	swait.eq [sflag:s4], $0x1  }
0x94: {  	[sflag:s4] =	ssyncset.done $0x0  }
0x95: {  	s16 =	sld [smem:$0x10];
	[sflag:s4] =	ssyncadd.s32 $0xFFFFFFFF  }
0x96: {  	s17 =	sld [smem:$0x11];
	(tm) =	ssettm $0x1  }
0x97: {  	s18 =	sld [smem:$0x3FFB];
	_ =	sdelay $0x3  }
0x98: {  	_ =	strace s18  }
0x99: {  	s5 =	sld [smem:$0x3FFC];
	_ =	sdelay $0x3  }
0x9a: {  	_ =	strace s5  }
0x9b: {  	s5 =	sld [smem:$0x3FFD];
	_ =	sdelay $0x3  }
0x9c: {  	_ =	strace s5  }
0x9d: {  	_ =	strace $0x8FFFFFFF  }
0x9e: {  	s19 =	sld [smem:$0x3FDB];
	_ =	sdelay $0x1  }
0x9f: {  	s6 =	simm.s32 $_scs_section_size  }
0xa0: {  	s7 =	simm.s32 $_size__tile_overlayer_lowered;
	s8 =	simm.s32 $_tile_overlayer_lowered  }
0xa1: {  	s22 =	simm.s32 $0x1BFF;
	s21 =	sshll.u32 s8, $0x1;
	s5 =	sadd.s32 s6, s19  }
0xa2: {  	s9 =	simm.s32 $0x0;
	s20 =	sshll.u32 s7, $0x1;
	s7 =	sadd.s32 s21, s5  }
0xa3: {  	[timem:s9], [sflag:s22] =	dma.local [hbm:s7], s20  }
0xa4: {  	_ =	swait.ge [sflag:s22], s20  }
0xa5: {  	s6 =	ssub.s32 $0x0, s20;
	[sflag:s22] =	ssyncset.done $0x0  }
0xa6: {  	[sflag:s22] =	ssyncadd.s32 s6;
	_ =	sdelay $0x1  }
0xa7: {  	s23 =	simm.s32 $0x1B8B  }
0xa8: {  	_ =	swait.ge [sflag:s23], $0x1  }
0xa9: {  	[sflag:s23] =	ssyncset.done $0x0  }
0xaa: {  	s25 =	simm.s32 $0x1B8E;
	s24 =	sld [smem:$0x3FFE];
	[sflag:s23] =	ssyncadd.s32 $0xFFFFFFFF  }
0xab: {  	s26 =	simm.s32 $execute0_lowered;
	[smem:$0x3FD2] =	sst s25  }
0xac: {  	s7 =	sshll.u32 s26, $0x1;
	_ =	strace $0x80000046;
	[dreg:$0x1] =	wrdreg $0xFFFFFFFF  }
0xad: {  	s28 =	simm.s32 $_size_execute0_lowered;
	s5 =	sadd.s32 s5, s7;
	[dreg:$0x0] =	wrdreg $0x0  }
0xae: {  	s7 =	sshll.u32 s28, $0x1;
	[dreg:$0x2] =	wrdreg s5  }
0xaf: {  	[dreg:$0x3] =	wrdreg s7  }
0xb0: {  	[dreg:$0x4] =	wrdreg $0xC0  }
0xb1: {  	_ =	task [dreg:s9], $0x5FFFF  }
0xb2: {  	[dreg:$0x1] =	wrdreg $0xFFFFFFFF  }
0xb3: {  	[dreg:$0x0] =	wrdreg $0x60  }
0xb4: {  	[dreg:$0x2] =	wrdreg s17  }
0xb5: {  	[dreg:$0x3] =	wrdreg s15  }
0xb6: {  	[dreg:$0x4] =	wrdreg s24  }
0xb7: {  	[dreg:$0x5] =	wrdreg s16  }
0xb8: {  	[dreg:$0x6] =	wrdreg $0xB4800  }
0xb9: {  	[dreg:$0x7] =	wrdreg $0x1F4800  }
0xba: {  	[dreg:$0x8] =	wrdreg $0x9  }
0xbb: {  	_ =	task.clear_ibuf [dreg:s9], $0x9FFFF;
	_ =	strace $0x90000046  }
0xbc: {  	s29 =	simm.s32 $0x9;
	_ =	strace $0x80000048  }
0xbd: {  	_ =	swait.ge [sflag:s29], $0x1  }
0xbe: {  	[sflag:s29] =	ssyncadd.s32 $0xFFFFFFFF  }
0xbf: {  	_ =	strace $0x90000048  }
0xc0: {  	_ =	sfence  }
0xc1: {  	s30 =	sld [smem:$0x0];
	_ =	sdelay $0x2  }
0xc2: {  	s31 =	sshll.u32 s1, $0xD;
	s1 =	sshrl.u32 s1, $0x2  }
0xc3: {  	s3 =	sand.u32 $0x4000, s31;
	s1 =	sadd.s32 s1, s30  }
0xc4: {  	s0 =	sor.u32 s3, s0;
	s1 =	sshll.u32 s1, $0x11  }
0xc5: {  	s0 =	sor.u32 s1, s0  }
0xc6: {  	s0 =	sadd.s32 $0x8F2B, s0  }
0xc7: {  	[sflag:s0] =	ssyncadd.remote.s32 $0x1  }
0xc8: {  	_ =	sfence.sel $0xFFFF  }
0xc9: {  	[dreg:$0x0] =	wrdreg $0xFFFFFFFF;
	(pc) =	sbr.abs _section_cstart, $3  }
0xca: {  	[dreg:$0x1] =	wrdreg $0xFFFFFFFF  }
0xcb: {  	_ =	task.clear_ibuf [dreg:s9], $0x2FFFF;
	_ =	strace $0x9FFFFFFF  }
0xcc: {  	(tm) =	ssettm $0x7FFFFFFF  }
0xcd: {  	_ =	shalt  }
tec
execute0_lowered:
.L_overlay_start_1:
0x0: {  	(tag) =	ssettag $0x1  }
0x1: {  	s1 =	rddreg [dreg:$0x0]  }
0x2: {  	s0 =	rddreg [dreg:$0x1]  }
0x3: {  	s2 =	rddreg [dreg:$0x2]  }
0x4: {  	s8 =	rddreg [dreg:$0x3]  }
0x5: {  	s3 =	rddreg [dreg:$0x4]  }
0x6: {  	s5 =	srdreg.scid;
	s17 =	stileid.u32  }
0x7: {  	s4 =	rddreg [dreg:$0x5];
	s28 =	simm.s32 $0x7400;
	s7 =	smul.u32 $0x14000, s17  }
0x8: {  	s29 =	simm.s32 $0x1;
	s30 =	simm.s32 $0xB400;
	s10 =	smul.u32 $0x50000, s17  }
0x9: {  	s9 =	sand.u32 $0x1, s5;
	s5 =	simm.s32 $0x0;
	s11 =	smul.u32 $0x280, s17  }
0xa: {  	s31 =	simm.s32 $0x2;
	s6 =	smul.u32 $0x140000, s9;
	[smem:$0x7FF] =	sst s5  }
0xb: {  	s22 =	ssub.s32 $0x2, s9;
	s24 =	sshll.u32 s9, $0x4;
	s9 =	sshll.u32 s9, $0x7  }
0xc: {  	_ =	strace $0x80000047;
	s23 =	sshrl.u32 s22, $0x1;
	s25 =	sshrl.u32 s10, $0x2  }
0xd: {  	s10 =	sor.u32 s17, s24;
	s13 =	sadd.s32 $0x80, s11;
	s15 =	sadd.s32 $0x100, s11  }
0xe: {  	s24 =	sshll.u32 s17, $0x5;
	s6 =	sadd.s32 s7, s6;
	s12 =	ssub.s32 s22, s23  }
0xf: {  	s7 =	sadd.s32 s11, s4;
	s14 =	sshll.u32 s13, $0x7;
	s18 =	smul.u32 $0x9C0, s10  }
0x10: {  	s13 =	sadd.s32 s13, s4;
	s26 =	sshll.u32 s15, $0x7;
	s23 =	smul.u32 $0x500, s17  }
0x11: {  	p0 =	sgt.u32 s10, $0x3;
	s14 =	sadd.s32 s14, s3;
	[dreg:$0x8] =	wrdreg s13  }
0x12: {  	s6 =	sshrl.u32 s6, $0x3;
	s13 =	sadd.s32 s26, s3;
	[dreg:$0x7] =	wrdreg s14  }
0x13: {  	s2 =	sadd.s32 s6, s2;
	s6 =	sadd.s32 s25, s3;
	[dreg:$0x9] =	wrdreg s13  }
0x14: {  	s14 =	sadd.s32 s15, s4;
	s15 =	sadd.s32 $0x180, s11;
	s11 =	sadd.s32 $0x200, s11  }
0x15: {  	s21 =	sadd.s32 s1, s18;
	s9 =	sor.u32 s9, s23;
	s23 =	simm.s32 $0x3400  }
0x16: {  	[dreg:$0xa] =	wrdreg s14;
	s16 =	sshll.u32 s15, $0x7;
	s19 =	sshll.u32 s11, $0x7  }
0x17: {  	s13 =	sadd.s32 s15, s4;
	s11 =	sadd.s32 s11, s4;
	[dreg:$0xf] =	wrdreg s21  }
0x18: {  	s26 =	sshrl.u32 s9, $0x3;
	s9 =	simm.s32 $0x1980;
	s14 =	sadd.s32 s16, s3  }
0x19: {  	s16 =	smul.u32 $0x4E00, s10;
	[dreg:$0xc] =	wrdreg s13;
	s20 =	sadd.s32 s19, s3  }
0x1a: {  	[dreg:$0xe] =	wrdreg s11;
	s21 =	sadd.s32 s8, s26;
	s8 =	simm.s32 $0x1880  }
0x1b: {  	s10 =	simm.s32 $0x4;
	s13 =	simm.s32 $0x3380;
	[dreg:$0xb] =	wrdreg s14  }
0x1c: {  	[dreg:$0xd] =	wrdreg s20;
	s20 =	sadd.s32 $0x1A00, s2;
	s22 =	sshrl.u32 s16, $0x3  }
0x1d: {  	s2 =	simm.s32 $0x1900;
	s14 =	simm.s32 $0x0;
	s11 =	sadd.s32 s1, s22  }
0x1e: {  	s1 =	sadd.s32 s24, s1;
	s22 =	smax.u32 s12, $0x1;
	s24 =	simm.s32 $0x6  }
0x1f: {  	s12 =	simm.s32 $0x3280;
	s25 =	sadd.s32 $0x340, s11;
	s11 =	sadd.s32 $0x680, s11  }
0x20: {  	s19 =	sadd.s32 $0x13800, s1;
	s1 =	simm.s32 $0x3;
	[dreg:$0x10] =	wrdreg s25  }
0x21: {  	v0 =	vimm.f32 $0.0e+00;
	v1 =	vimm.f32 $1.000000000e+00;
	[dreg:$0x11] =	wrdreg s11;
	s25 =	simm.s32 $0x80;
	s11 =	simm.s32 $0x5  }
.LBB2_1:
0x22: {  	s15 =	simm.s32 $0x0;
	s16 =	simm.s32 $0x200  }
.LBB2_2:
0x23: {  	p1 =	sne.s32 s16, $0xFE00;
	[tilespmem:s15+$0x3470] =	vst v0  }
0x24: {  	[tilespmem:s15+$0x3400] =	vst v0  }
0x25: {  	[tilespmem:s15+$0x3410] =	vst v0  }
.Ltmp0:
0x26: {  	[tilespmem:s15+$0x3420] =	vst v0;
	(pc) =	sbr.rel @p1 .LBB2_2-.Ltmp0, $4  }
0x27: {  	[tilespmem:s15+$0x3430] =	vst v0  }
0x28: {  	[tilespmem:s15+$0x3440] =	vst v0  }
0x29: {  	[tilespmem:s15+$0x3450] =	vst v0  }
0x2a: {  	[tilespmem:s15+$0x3460] =	vst v0;
	s15 =	sshra.s32 s16, $0x2;
	s16 =	sadd.s32 $0x200, s16  }
0x2b: {  	[tilespmem:s15+$0x3470] =	vst v0  }
0x2c: {  	[tilespmem:s15+$0x3400] =	vst v0  }
0x2d: {  	[tilespmem:s15+$0x3410] =	vst v0  }
0x2e: {  	[tilespmem:s15+$0x3420] =	vst v0  }
0x2f: {  	[tilespmem:s15+$0x3430] =	vst v0  }
0x30: {  	[tilespmem:s15+$0x3440] =	vst v0  }
0x31: {  	[tilespmem:s15+$0x3450] =	vst v0  }
0x32: {  	[tilespmem:s15+$0x3460] =	vst v0  }
0x33: {  	[spmem:s6] =	stream.linear.scatter [tilespmem:s23], [sflag:$0x6], $0x4000, $0x38;
	[tilespmem:$0x1F700] =	vst v63  }
0x34: {  	_ =	swait.ge [sflag:s24], $0x4000  }
0x35: {  	[sflag:s24] =	ssyncset.done $0x0  }
0x36: {  	[sflag:s24] =	ssyncadd.s32 $0xFFFFC000  }
0x37: {  	[spmem:s7] =	stream.linear.scatter [tilespmem:s23], [sflag:$0x6], $0x80, $0x38;
	[tilespmem:$0x1F700] =	vst v63  }
0x38: {  	_ =	swait.ge [sflag:s24], $0x80  }
0x39: {  	[sflag:s24] =	ssyncset.done $0x0  }
0x3a: {  	s18 =	rddreg [dreg:$0x7];
	[sflag:s24] =	ssyncadd.s32 $0xFFFFFF80  }
0x3b: {  	[spmem:s18] =	stream.linear.scatter [tilespmem:s23], [sflag:$0x6], $0x4000, $0x38;
	[tilespmem:$0x1F700] =	vst v63  }
0x3c: {  	_ =	swait.ge [sflag:s24], $0x4000  }
0x3d: {  	[sflag:s24] =	ssyncset.done $0x0  }
0x3e: {  	s26 =	rddreg [dreg:$0x8];
	[sflag:s24] =	ssyncadd.s32 $0xFFFFC000  }
0x3f: {  	[spmem:s26] =	stream.linear.scatter [tilespmem:s23], [sflag:$0x6], $0x80, $0x38;
	[tilespmem:$0x1F700] =	vst v63  }
0x40: {  	_ =	swait.ge [sflag:s24], $0x80  }
0x41: {  	[sflag:s24] =	ssyncset.done $0x0  }
0x42: {  	s16 =	rddreg [dreg:$0x9];
	[sflag:s24] =	ssyncadd.s32 $0xFFFFFF80  }
0x43: {  	[spmem:s16] =	stream.linear.scatter [tilespmem:s23], [sflag:$0x6], $0x4000, $0x38;
	[tilespmem:$0x1F700] =	vst v63  }
0x44: {  	_ =	swait.ge [sflag:s24], $0x4000  }
0x45: {  	[sflag:s24] =	ssyncset.done $0x0  }
0x46: {  	s17 =	rddreg [dreg:$0xa];
	[sflag:s24] =	ssyncadd.s32 $0xFFFFC000  }
0x47: {  	[spmem:s17] =	stream.linear.scatter [tilespmem:s23], [sflag:$0x6], $0x80, $0x38;
	[tilespmem:$0x1F700] =	vst v63  }
0x48: {  	_ =	swait.ge [sflag:s24], $0x80  }
0x49: {  	[sflag:s24] =	ssyncset.done $0x0  }
0x4a: {  	s18 =	rddreg [dreg:$0xb];
	[sflag:s24] =	ssyncadd.s32 $0xFFFFFF80  }
0x4b: {  	[spmem:s18] =	stream.linear.scatter [tilespmem:s23], [sflag:$0x6], $0x4000, $0x38;
	[tilespmem:$0x1F700] =	vst v63  }
0x4c: {  	_ =	swait.ge [sflag:s24], $0x4000  }
0x4d: {  	[sflag:s24] =	ssyncset.done $0x0  }
0x4e: {  	s26 =	rddreg [dreg:$0xc];
	[sflag:s24] =	ssyncadd.s32 $0xFFFFC000  }
0x4f: {  	[spmem:s26] =	stream.linear.scatter [tilespmem:s23], [sflag:$0x6], $0x80, $0x38;
	[tilespmem:$0x1F700] =	vst v63  }
0x50: {  	_ =	swait.ge [sflag:s24], $0x80  }
0x51: {  	[sflag:s24] =	ssyncset.done $0x0  }
0x52: {  	s16 =	rddreg [dreg:$0xd];
	[sflag:s24] =	ssyncadd.s32 $0xFFFFFF80  }
0x53: {  	[spmem:s16] =	stream.linear.scatter [tilespmem:s23], [sflag:$0x6], $0x4000, $0x38;
	[tilespmem:$0x1F700] =	vst v63  }
0x54: {  	_ =	swait.ge [sflag:s24], $0x4000  }
0x55: {  	[sflag:s24] =	ssyncset.done $0x0  }
0x56: {  	s17 =	rddreg [dreg:$0xe];
	[sflag:s24] =	ssyncadd.s32 $0xFFFFC000  }
0x57: {  	[spmem:s17] =	stream.linear.scatter [tilespmem:s23], [sflag:$0x6], $0x80, $0x38;
	[tilespmem:$0x1F700] =	vst v63  }
0x58: {  	_ =	swait.ge [sflag:s24], $0x80  }
0x59: {  	[sflag:s24] =	ssyncset.done $0x0  }
0x5a: {  	[sflag:s24] =	ssyncadd.s32 $0xFFFFFF80  }
0x5b: {  	[tilespmem:$0xB400] =	vst v1  }
0x5c: {  	[tilespmem:$0xB410] =	vst v1  }
0x5d: {  	[tilespmem:$0xB420] =	vst v1  }
0x5e: {  	[tilespmem:$0xB430] =	vst v1  }
0x5f: {  	[tilespmem:$0xB440] =	vst v1  }
0x60: {  	[tilespmem:$0xB450] =	vst v1  }
0x61: {  	[tilespmem:$0xB460] =	vst v1  }
0x62: {  	[tilespmem:$0xB470] =	vst v1  }
0x63: {  	[bflag:$0x0] =	sbarrier.arrive $0xFFFF  }
0x64: {  	s18 =	rddreg [dreg:$0xf]  }
0x65: {  	[tilespmem:s5], [sflag:$0x6] =	stream.linear.gather [hbm4b:s18+s5], $0x1A00, $0x38;
	[tilespmem:$0x1F700] =	vst v63  }
0x66: {  	_ =	swait.ge [sflag:s24], $0x1A00  }
0x67: {  	[sflag:s24] =	ssyncset.done $0x0  }
0x68: {  	[sflag:s24] =	ssyncadd.s32 $0xFFFFE600  }
0x69: {  	[tilespmem:s23], [sflag:$0x1] =	stream.indirect.gather [hbm4b:s0+s25], $0x80, s5, s25, $0xb8;
	[tilespmem:$0x1F700] =	vst v63  }
0x6a: {  	s16 =	simm.s32 $0x1A00;
	s26 =	rddreg [dreg:$0x10]  }
0x6b: {  	[tilespmem:s16], [sflag:$0x5] =	stream.linear.gather [hbm4b:s26+s5], $0x1A00, $0x38;
	[tilespmem:$0x1F700] =	vst v63  }
0x6c: {  	s17 =	simm.s32 $0x100  }
0x6d: {  	[tilespmem:s28], [sflag:$0x2] =	stream.indirect.gather [hbm4b:s0+s25], $0x80, s17, s25, $0xb8;
	[tilespmem:$0x1F700] =	vst v63  }
0x6e: {  	_ =	swait.ge [sflag:s29], $0x4000  }
0x6f: {  	[sflag:s29] =	ssyncset.done $0x0  }
0x70: {  	s18 =	simm.s32 $0x80;
	[sflag:s29] =	ssyncadd.s32 $0xFFFFC000  }
0x71: {  	[spmem:s3] =	stream.indirect.scatter.add.f32 [tilespmem:s23], [sflag:$0x3], $0x80, s18, s25, $0xb8;
	[tilespmem:$0x1F700] =	vst v63  }
0x72: {  	_ = 	snop  }
0x73: {  	[spmem:s4] =	stream.indirect.scatter.add.f32 [tilespmem:s30], [sflag:$0x4], $0x1, s18, s25, $0xb8;
	[tilespmem:$0x1F700] =	vst v63  }
0x74: {  	_ =	swait.ge [sflag:s31], $0x4000  }
0x75: {  	[sflag:s31] =	ssyncset.done $0x0  }
0x76: {  	[sflag:s31] =	ssyncadd.s32 $0xFFFFC000  }
0x77: {  	_ =	swait.ge [sflag:s1], $0x4000  }
0x78: {  	[sflag:s1] =	ssyncset.done $0x0  }
0x79: {  	s26 =	simm.s32 $0x200;
	[sflag:s1] =	ssyncadd.s32 $0xFFFFC000  }
0x7a: {  	[tilespmem:s23], [sflag:$0x1] =	stream.indirect.gather [hbm4b:s0+s25], $0x80, s26, s25, $0xb8;
	[tilespmem:$0x1F700] =	vst v63  }
0x7b: {  	s16 =	simm.s32 $0x180  }
0x7c: {  	[spmem:s3] =	stream.indirect.scatter.add.f32 [tilespmem:s28], [sflag:$0x6], $0x80, s16, s25, $0xb8;
	[tilespmem:$0x1F700] =	vst v63  }
0x7d: {  	_ =	swait.ge [sflag:s24], $0x4000  }
0x7e: {  	[sflag:s24] =	ssyncset.done $0x0  }
0x7f: {  	s15 =	simm.s32 $0xFFFFEA00;
	s17 =	simm.s32 $0xFFFFB000;
	[sflag:s24] =	ssyncadd.s32 $0xFFFFC000  }
.LBB2_4:
0x80: {  	[spmem:s4] =	stream.indirect.scatter.add.f32 [tilespmem:s30], [sflag:$0x4], $0x1, s16, s25, $0xb8;
	[tilespmem:$0x1F700] =	vst v63  }
0x81: {  	s16 =	smov.u32 s17  }
0x82: {  	s18 =	sadd.s32 $0x800, s17;
	s26 =	sshra.s32 s16, $0x2;
	s16 =	sadd.s32 $0x1900, s15  }
0x83: {  	[tilespmem:s28], [sflag:$0x2] =	stream.indirect.gather [hbm4b:s0+s25], $0x80, s16, s25, $0xb8;
	[tilespmem:$0x1F700] =	vst v63  }
0x84: {  	p1 =	sne.s32 s17, $0xFFFFF800;
	_ =	swait.ge [sflag:s29], $0x4000  }
0x85: {  	[sflag:s29] =	ssyncset.done $0x0  }
0x86: {  	s16 =	sadd.s32 $0x1880, s15;
	[sflag:s29] =	ssyncadd.s32 $0xFFFFC000  }
0x87: {  	[spmem:s3] =	stream.indirect.scatter.add.f32 [tilespmem:s23], [sflag:$0x3], $0x80, s16, s25, $0xb8;
	[tilespmem:$0x1F700] =	vst v63  }
0x88: {  	_ = 	snop  }
0x89: {  	[spmem:s4] =	stream.indirect.scatter.add.f32 [tilespmem:s30], [sflag:$0x4], $0x1, s16, s25, $0xb8;
	[tilespmem:$0x1F700] =	vst v63  }
0x8a: {  	_ =	swait.ge [sflag:s31], $0x4000  }
0x8b: {  	[sflag:s31] =	ssyncset.done $0x0  }
0x8c: {  	[sflag:s31] =	ssyncadd.s32 $0xFFFFC000  }
0x8d: {  	_ =	swait.ge [sflag:s1], $0x4000  }
0x8e: {  	[sflag:s1] =	ssyncset.done $0x0  }
0x8f: {  	s16 =	sadd.s32 $0x1A00, s15;
	[sflag:s1] =	ssyncadd.s32 $0xFFFFC000  }
0x90: {  	[tilespmem:s23], [sflag:$0x1] =	stream.indirect.gather [hbm4b:s0+s25], $0x80, s16, s25, $0xb8;
	[tilespmem:$0x1F700] =	vst v63  }
.Ltmp1:
0x91: {  	s16 =	sadd.s32 $0x1980, s15;
	s15 =	smov.u32 s26;
	(pc) =	sbr.rel @p1 .LBB2_4-.Ltmp1, $4  }
0x92: {  	[spmem:s3] =	stream.indirect.scatter.add.f32 [tilespmem:s28], [sflag:$0x6], $0x80, s16, s25, $0xb8;
	[tilespmem:$0x1F700] =	vst v63  }
0x93: {  	_ =	swait.ge [sflag:s24], $0x4000  }
0x94: {  	[sflag:s24] =	ssyncset.done $0x0  }
0x95: {  	s17 =	smov.u32 s18;
	[sflag:s24] =	ssyncadd.s32 $0xFFFFC000  }
0x96: {  	[spmem:s4] =	stream.indirect.scatter.add.f32 [tilespmem:s30], [sflag:$0x4], $0x1, s16, s25, $0xb8;
	[tilespmem:$0x1F700] =	vst v63  }
0x97: {  	s18 =	sadd.s32 $0x1900, s15  }
0x98: {  	[tilespmem:s28], [sflag:$0x2] =	stream.indirect.gather [hbm4b:s0+s25], $0x80, s18, s25, $0xb8;
	[tilespmem:$0x1F700] =	vst v63  }
0x99: {  	_ =	swait.ge [sflag:s29], $0x4000  }
0x9a: {  	[sflag:s29] =	ssyncset.done $0x0  }
0x9b: {  	s26 =	sadd.s32 $0x1880, s15;
	[sflag:s29] =	ssyncadd.s32 $0xFFFFC000  }
0x9c: {  	[spmem:s3] =	stream.indirect.scatter.add.f32 [tilespmem:s23], [sflag:$0x3], $0x80, s26, s25, $0xb8;
	[tilespmem:$0x1F700] =	vst v63  }
0x9d: {  	_ = 	snop  }
0x9e: {  	[spmem:s4] =	stream.indirect.scatter.add.f32 [tilespmem:s30], [sflag:$0x4], $0x1, s26, s25, $0xb8;
	[tilespmem:$0x1F700] =	vst v63  }
0x9f: {  	_ =	swait.ge [sflag:s31], $0x4000  }
0xa0: {  	[sflag:s31] =	ssyncset.done $0x0  }
0xa1: {  	[sflag:s31] =	ssyncadd.s32 $0xFFFFC000  }
0xa2: {  	_ =	swait.ge [sflag:s1], $0x4000  }
0xa3: {  	[sflag:s1] =	ssyncset.done $0x0  }
0xa4: {  	s17 =	sadd.s32 $0x1A00, s15;
	[sflag:s1] =	ssyncadd.s32 $0xFFFFC000  }
0xa5: {  	[tilespmem:s23], [sflag:$0x1] =	stream.indirect.gather [hbm4b:s0+s25], $0x80, s17, s25, $0xb8;
	[tilespmem:$0x1F700] =	vst v63  }
0xa6: {  	s18 =	sadd.s32 $0x1980, s15  }
0xa7: {  	[spmem:s3] =	stream.indirect.scatter.add.f32 [tilespmem:s28], [sflag:$0x6], $0x80, s18, s25, $0xb8;
	[tilespmem:$0x1F700] =	vst v63  }
0xa8: {  	_ =	swait.ge [sflag:s24], $0x4000  }
0xa9: {  	[sflag:s24] =	ssyncset.done $0x0  }
0xaa: {  	[sflag:s24] =	ssyncadd.s32 $0xFFFFC000  }
0xab: {  	[spmem:s4] =	stream.indirect.scatter.add.f32 [tilespmem:s30], [sflag:$0x4], $0x1, s18, s25, $0xb8;
	[tilespmem:$0x1F700] =	vst v63  }
0xac: {  	_ = 	snop  }
0xad: {  	[tilespmem:s28], [sflag:$0x2] =	stream.indirect.gather [hbm4b:s0+s25], $0x80, s2, s25, $0xb8;
	[tilespmem:$0x1F700] =	vst v63  }
0xae: {  	_ =	swait.ge [sflag:s29], $0x4000  }
0xaf: {  	[sflag:s29] =	ssyncset.done $0x0  }
0xb0: {  	[sflag:s29] =	ssyncadd.s32 $0xFFFFC000  }
0xb1: {  	[spmem:s3] =	stream.indirect.scatter.add.f32 [tilespmem:s23], [sflag:$0x3], $0x80, s8, s25, $0xb8;
	[tilespmem:$0x1F700] =	vst v63  }
0xb2: {  	_ = 	snop  }
0xb3: {  	[spmem:s4] =	stream.indirect.scatter.add.f32 [tilespmem:s30], [sflag:$0x4], $0x1, s8, s25, $0xb8;
	[tilespmem:$0x1F700] =	vst v63  }
0xb4: {  	_ =	swait.ge [sflag:s31], $0x4000  }
0xb5: {  	[sflag:s31] =	ssyncset.done $0x0  }
0xb6: {  	[sflag:s31] =	ssyncadd.s32 $0xFFFFC000  }
0xb7: {  	_ =	swait.ge [sflag:s1], $0x4000  }
0xb8: {  	[sflag:s1] =	ssyncset.done $0x0  }
0xb9: {  	[sflag:s1] =	ssyncadd.s32 $0xFFFFC000  }
0xba: {  	[spmem:s3] =	stream.indirect.scatter.add.f32 [tilespmem:s28], [sflag:$0x6], $0x80, s9, s25, $0xb8;
	[tilespmem:$0x1F700] =	vst v63  }
0xbb: {  	_ =	swait.ge [sflag:s24], $0x4000  }
0xbc: {  	[sflag:s24] =	ssyncset.done $0x0  }
0xbd: {  	[sflag:s24] =	ssyncadd.s32 $0xFFFFC000  }
0xbe: {  	[spmem:s4] =	stream.indirect.scatter.add.f32 [tilespmem:s30], [sflag:$0x4], $0x1, s9, s25, $0xb8;
	[tilespmem:$0x1F700] =	vst v63  }
0xbf: {  	_ =	swait.ge [sflag:s10], $0x80  }
0xc0: {  	[sflag:s10] =	ssyncset.done $0x0  }
0xc1: {  	[sflag:s10] =	ssyncadd.s32 $0xFFFFFF80  }
0xc2: {  	_ =	swait.ge [sflag:s10], $0x80  }
0xc3: {  	[sflag:s10] =	ssyncset.done $0x0  }
0xc4: {  	[sflag:s10] =	ssyncadd.s32 $0xFFFFFF80  }
0xc5: {  	_ =	swait.ge [sflag:s10], $0x80  }
0xc6: {  	[sflag:s10] =	ssyncset.done $0x0  }
0xc7: {  	[sflag:s10] =	ssyncadd.s32 $0xFFFFFF80  }
0xc8: {  	_ =	swait.ge [sflag:s10], $0x80  }
0xc9: {  	[sflag:s10] =	ssyncset.done $0x0  }
0xca: {  	[sflag:s10] =	ssyncadd.s32 $0xFFFFFF80  }
0xcb: {  	_ =	swait.ge [sflag:s10], $0x80  }
0xcc: {  	[sflag:s10] =	ssyncset.done $0x0  }
0xcd: {  	[sflag:s10] =	ssyncadd.s32 $0xFFFFFF80  }
0xce: {  	_ =	swait.ge [sflag:s10], $0x80  }
0xcf: {  	[sflag:s10] =	ssyncset.done $0x0  }
0xd0: {  	[sflag:s10] =	ssyncadd.s32 $0xFFFFFF80  }
0xd1: {  	_ =	swait.ge [sflag:s10], $0x80  }
0xd2: {  	[sflag:s10] =	ssyncset.done $0x0  }
0xd3: {  	[sflag:s10] =	ssyncadd.s32 $0xFFFFFF80  }
0xd4: {  	_ =	swait.ge [sflag:s10], $0x80  }
0xd5: {  	[sflag:s10] =	ssyncset.done $0x0  }
0xd6: {  	[sflag:s10] =	ssyncadd.s32 $0xFFFFFF80  }
0xd7: {  	_ =	swait.ge [sflag:s10], $0x80  }
0xd8: {  	[sflag:s10] =	ssyncset.done $0x0  }
0xd9: {  	[sflag:s10] =	ssyncadd.s32 $0xFFFFFF80  }
0xda: {  	_ =	swait.ge [sflag:s10], $0x80  }
0xdb: {  	[sflag:s10] =	ssyncset.done $0x0  }
0xdc: {  	[sflag:s10] =	ssyncadd.s32 $0xFFFFFF80  }
0xdd: {  	_ =	swait.ge [sflag:s10], $0x80  }
0xde: {  	[sflag:s10] =	ssyncset.done $0x0  }
0xdf: {  	[sflag:s10] =	ssyncadd.s32 $0xFFFFFF80  }
0xe0: {  	_ =	swait.ge [sflag:s10], $0x80  }
0xe1: {  	[sflag:s10] =	ssyncset.done $0x0  }
0xe2: {  	[sflag:s10] =	ssyncadd.s32 $0xFFFFFF80  }
0xe3: {  	_ =	swait.ge [sflag:s10], $0x80  }
0xe4: {  	[sflag:s10] =	ssyncset.done $0x0  }
0xe5: {  	[sflag:s10] =	ssyncadd.s32 $0xFFFFFF80  }
0xe6: {  	_ =	swait.ge [sflag:s10], $0x80  }
0xe7: {  	[sflag:s10] =	ssyncset.done $0x0  }
0xe8: {  	[sflag:s10] =	ssyncadd.s32 $0xFFFFFF80  }
0xe9: {  	_ =	swait.ge [sflag:s10], $0x80  }
0xea: {  	[sflag:s10] =	ssyncset.done $0x0  }
0xeb: {  	[sflag:s10] =	ssyncadd.s32 $0xFFFFFF80  }
0xec: {  	_ =	swait.ge [sflag:s10], $0x80  }
0xed: {  	[sflag:s10] =	ssyncset.done $0x0  }
0xee: {  	[sflag:s10] =	ssyncadd.s32 $0xFFFFFF80  }
0xef: {  	_ =	swait.ge [sflag:s10], $0x80  }
0xf0: {  	[sflag:s10] =	ssyncset.done $0x0  }
0xf1: {  	[sflag:s10] =	ssyncadd.s32 $0xFFFFFF80  }
0xf2: {  	_ =	swait.ge [sflag:s10], $0x80  }
0xf3: {  	[sflag:s10] =	ssyncset.done $0x0  }
0xf4: {  	[sflag:s10] =	ssyncadd.s32 $0xFFFFFF80  }
0xf5: {  	_ =	swait.ge [sflag:s10], $0x80  }
0xf6: {  	[sflag:s10] =	ssyncset.done $0x0  }
0xf7: {  	[sflag:s10] =	ssyncadd.s32 $0xFFFFFF80  }
0xf8: {  	_ =	swait.ge [sflag:s10], $0x80  }
0xf9: {  	[sflag:s10] =	ssyncset.done $0x0  }
0xfa: {  	[sflag:s10] =	ssyncadd.s32 $0xFFFFFF80  }
0xfb: {  	_ =	swait.ge [sflag:s10], $0x80  }
0xfc: {  	[sflag:s10] =	ssyncset.done $0x0  }
0xfd: {  	[sflag:s10] =	ssyncadd.s32 $0xFFFFFF80  }
0xfe: {  	_ =	swait.ge [sflag:s10], $0x80  }
0xff: {  	[sflag:s10] =	ssyncset.done $0x0  }
0x100: {  	[sflag:s10] =	ssyncadd.s32 $0xFFFFFF80  }
0x101: {  	_ =	swait.ge [sflag:s10], $0x80  }
0x102: {  	[sflag:s10] =	ssyncset.done $0x0  }
0x103: {  	[sflag:s10] =	ssyncadd.s32 $0xFFFFFF80  }
0x104: {  	_ =	swait.ge [sflag:s10], $0x80  }
0x105: {  	[sflag:s10] =	ssyncset.done $0x0  }
0x106: {  	[sflag:s10] =	ssyncadd.s32 $0xFFFFFF80  }
0x107: {  	_ =	swait.ge [sflag:s10], $0x80  }
0x108: {  	[sflag:s10] =	ssyncset.done $0x0  }
0x109: {  	[sflag:s10] =	ssyncadd.s32 $0xFFFFFF80  }
0x10a: {  	_ =	swait.ge [sflag:s10], $0x80  }
0x10b: {  	[sflag:s10] =	ssyncset.done $0x0  }
0x10c: {  	[sflag:s10] =	ssyncadd.s32 $0xFFFFFF80  }
0x10d: {  	_ =	swait.ge [sflag:s11], $0x1A00  }
0x10e: {  	[sflag:s11] =	ssyncset.done $0x0  }
0x10f: {  	s26 =	simm.s32 $0x1A00;
	[sflag:s11] =	ssyncadd.s32 $0xFFFFE600  }
0x110: {  	[tilespmem:s23], [sflag:$0x1] =	stream.indirect.gather [hbm4b:s0+s25], $0x80, s26, s25, $0xb8;
	[tilespmem:$0x1F700] =	vst v63  }
0x111: {  	s16 =	rddreg [dreg:$0x11]  }
0x112: {  	[tilespmem:s5], [sflag:$0x5] =	stream.linear.gather [hbm4b:s16+s5], $0x1A00, $0x38;
	[tilespmem:$0x1F700] =	vst v63  }
0x113: {  	s17 =	simm.s32 $0x1B00  }
0x114: {  	[tilespmem:s28], [sflag:$0x2] =	stream.indirect.gather [hbm4b:s0+s25], $0x80, s17, s25, $0xb8;
	[tilespmem:$0x1F700] =	vst v63  }
0x115: {  	_ =	swait.ge [sflag:s29], $0x4000  }
0x116: {  	[sflag:s29] =	ssyncset.done $0x0  }
0x117: {  	s18 =	simm.s32 $0x1A80;
	[sflag:s29] =	ssyncadd.s32 $0xFFFFC000  }
0x118: {  	[spmem:s3] =	stream.indirect.scatter.add.f32 [tilespmem:s23], [sflag:$0x3], $0x80, s18, s25, $0xb8;
	[tilespmem:$0x1F700] =	vst v63  }
0x119: {  	_ = 	snop  }
0x11a: {  	[spmem:s4] =	stream.indirect.scatter.add.f32 [tilespmem:s30], [sflag:$0x4], $0x1, s18, s25, $0xb8;
	[tilespmem:$0x1F700] =	vst v63  }
0x11b: {  	_ =	swait.ge [sflag:s31], $0x4000  }
0x11c: {  	[sflag:s31] =	ssyncset.done $0x0  }
0x11d: {  	[sflag:s31] =	ssyncadd.s32 $0xFFFFC000  }
0x11e: {  	_ =	swait.ge [sflag:s1], $0x4000  }
0x11f: {  	[sflag:s1] =	ssyncset.done $0x0  }
0x120: {  	s26 =	simm.s32 $0x1C00;
	[sflag:s1] =	ssyncadd.s32 $0xFFFFC000  }
0x121: {  	[tilespmem:s23], [sflag:$0x1] =	stream.indirect.gather [hbm4b:s0+s25], $0x80, s26, s25, $0xb8;
	[tilespmem:$0x1F700] =	vst v63  }
0x122: {  	s16 =	simm.s32 $0x1B80  }
0x123: {  	[spmem:s3] =	stream.indirect.scatter.add.f32 [tilespmem:s28], [sflag:$0x6], $0x80, s16, s25, $0xb8;
	[tilespmem:$0x1F700] =	vst v63  }
0x124: {  	_ =	swait.ge [sflag:s24], $0x4000  }
0x125: {  	[sflag:s24] =	ssyncset.done $0x0  }
0x126: {  	s15 =	simm.s32 $0xFFFFEA00;
	s17 =	simm.s32 $0xFFFFB000;
	[sflag:s24] =	ssyncadd.s32 $0xFFFFC000  }
.LBB2_6:
0x127: {  	[spmem:s4] =	stream.indirect.scatter.add.f32 [tilespmem:s30], [sflag:$0x4], $0x1, s16, s25, $0xb8;
	[tilespmem:$0x1F700] =	vst v63  }
0x128: {  	s16 =	smov.u32 s17  }
0x129: {  	s26 =	sadd.s32 $0x800, s17;
	s18 =	sshra.s32 s16, $0x2;
	s16 =	sadd.s32 $0x3300, s15  }
0x12a: {  	[tilespmem:s28], [sflag:$0x2] =	stream.indirect.gather [hbm4b:s0+s25], $0x80, s16, s25, $0xb8;
	[tilespmem:$0x1F700] =	vst v63  }
0x12b: {  	p1 =	sne.s32 s17, $0xFFFFF800;
	_ =	swait.ge [sflag:s29], $0x4000  }
0x12c: {  	[sflag:s29] =	ssyncset.done $0x0  }
0x12d: {  	s16 =	sadd.s32 $0x3280, s15;
	[sflag:s29] =	ssyncadd.s32 $0xFFFFC000  }
0x12e: {  	[spmem:s3] =	stream.indirect.scatter.add.f32 [tilespmem:s23], [sflag:$0x3], $0x80, s16, s25, $0xb8;
	[tilespmem:$0x1F700] =	vst v63  }
0x12f: {  	_ = 	snop  }
0x130: {  	[spmem:s4] =	stream.indirect.scatter.add.f32 [tilespmem:s30], [sflag:$0x4], $0x1, s16, s25, $0xb8;
	[tilespmem:$0x1F700] =	vst v63  }
0x131: {  	_ =	swait.ge [sflag:s31], $0x4000  }
0x132: {  	[sflag:s31] =	ssyncset.done $0x0  }
0x133: {  	[sflag:s31] =	ssyncadd.s32 $0xFFFFC000  }
0x134: {  	_ =	swait.ge [sflag:s1], $0x4000  }
0x135: {  	[sflag:s1] =	ssyncset.done $0x0  }
0x136: {  	s16 =	sadd.s32 $0x3400, s15;
	[sflag:s1] =	ssyncadd.s32 $0xFFFFC000  }
0x137: {  	[tilespmem:s23], [sflag:$0x1] =	stream.indirect.gather [hbm4b:s0+s25], $0x80, s16, s25, $0xb8;
	[tilespmem:$0x1F700] =	vst v63  }
.Ltmp2:
0x138: {  	s16 =	sadd.s32 $0x3380, s15;
	s15 =	smov.u32 s18;
	(pc) =	sbr.rel @p1 .LBB2_6-.Ltmp2, $4  }
0x139: {  	[spmem:s3] =	stream.indirect.scatter.add.f32 [tilespmem:s28], [sflag:$0x6], $0x80, s16, s25, $0xb8;
	[tilespmem:$0x1F700] =	vst v63  }
0x13a: {  	_ =	swait.ge [sflag:s24], $0x4000  }
0x13b: {  	[sflag:s24] =	ssyncset.done $0x0  }
0x13c: {  	s17 =	smov.u32 s26;
	[sflag:s24] =	ssyncadd.s32 $0xFFFFC000  }
0x13d: {  	[spmem:s4] =	stream.indirect.scatter.add.f32 [tilespmem:s30], [sflag:$0x4], $0x1, s16, s25, $0xb8;
	[tilespmem:$0x1F700] =	vst v63  }
0x13e: {  	s26 =	sadd.s32 $0x3300, s15  }
0x13f: {  	[tilespmem:s28], [sflag:$0x2] =	stream.indirect.gather [hbm4b:s0+s25], $0x80, s26, s25, $0xb8;
	[tilespmem:$0x1F700] =	vst v63  }
0x140: {  	_ =	swait.ge [sflag:s29], $0x4000  }
0x141: {  	[sflag:s29] =	ssyncset.done $0x0  }
0x142: {  	s17 =	sadd.s32 $0x3280, s15;
	[sflag:s29] =	ssyncadd.s32 $0xFFFFC000  }
0x143: {  	[spmem:s3] =	stream.indirect.scatter.add.f32 [tilespmem:s23], [sflag:$0x3], $0x80, s17, s25, $0xb8;
	[tilespmem:$0x1F700] =	vst v63  }
0x144: {  	_ = 	snop  }
0x145: {  	[spmem:s4] =	stream.indirect.scatter.add.f32 [tilespmem:s30], [sflag:$0x4], $0x1, s17, s25, $0xb8;
	[tilespmem:$0x1F700] =	vst v63  }
0x146: {  	_ =	swait.ge [sflag:s31], $0x4000  }
0x147: {  	[sflag:s31] =	ssyncset.done $0x0  }
0x148: {  	[sflag:s31] =	ssyncadd.s32 $0xFFFFC000  }
0x149: {  	_ =	swait.ge [sflag:s1], $0x4000  }
0x14a: {  	[sflag:s1] =	ssyncset.done $0x0  }
0x14b: {  	s18 =	sadd.s32 $0x3400, s15;
	[sflag:s1] =	ssyncadd.s32 $0xFFFFC000  }
0x14c: {  	[tilespmem:s23], [sflag:$0x1] =	stream.indirect.gather [hbm4b:s0+s25], $0x80, s18, s25, $0xb8;
	[tilespmem:$0x1F700] =	vst v63  }
0x14d: {  	s26 =	sadd.s32 $0x3380, s15  }
0x14e: {  	[spmem:s3] =	stream.indirect.scatter.add.f32 [tilespmem:s28], [sflag:$0x6], $0x80, s26, s25, $0xb8;
	[tilespmem:$0x1F700] =	vst v63  }
0x14f: {  	_ =	swait.ge [sflag:s24], $0x4000  }
0x150: {  	[sflag:s24] =	ssyncset.done $0x0  }
0x151: {  	[sflag:s24] =	ssyncadd.s32 $0xFFFFC000  }
0x152: {  	[spmem:s4] =	stream.indirect.scatter.add.f32 [tilespmem:s30], [sflag:$0x4], $0x1, s26, s25, $0xb8;
	[tilespmem:$0x1F700] =	vst v63  }
0x153: {  	s16 =	simm.s32 $0x3300  }
0x154: {  	[tilespmem:s28], [sflag:$0x2] =	stream.indirect.gather [hbm4b:s0+s25], $0x80, s16, s25, $0xb8;
	[tilespmem:$0x1F700] =	vst v63  }
0x155: {  	_ =	swait.ge [sflag:s29], $0x4000  }
0x156: {  	[sflag:s29] =	ssyncset.done $0x0  }
0x157: {  	[sflag:s29] =	ssyncadd.s32 $0xFFFFC000  }
0x158: {  	[spmem:s3] =	stream.indirect.scatter.add.f32 [tilespmem:s23], [sflag:$0x3], $0x80, s12, s25, $0xb8;
	[tilespmem:$0x1F700] =	vst v63  }
0x159: {  	_ = 	snop  }
0x15a: {  	[spmem:s4] =	stream.indirect.scatter.add.f32 [tilespmem:s30], [sflag:$0x4], $0x1, s12, s25, $0xb8;
	[tilespmem:$0x1F700] =	vst v63  }
0x15b: {  	_ =	swait.ge [sflag:s31], $0x4000  }
0x15c: {  	[sflag:s31] =	ssyncset.done $0x0  }
0x15d: {  	[sflag:s31] =	ssyncadd.s32 $0xFFFFC000  }
0x15e: {  	_ =	swait.ge [sflag:s1], $0x4000  }
0x15f: {  	[sflag:s1] =	ssyncset.done $0x0  }
0x160: {  	[sflag:s1] =	ssyncadd.s32 $0xFFFFC000  }
0x161: {  	[spmem:s3] =	stream.indirect.scatter.add.f32 [tilespmem:s28], [sflag:$0x6], $0x80, s13, s25, $0xb8;
	[tilespmem:$0x1F700] =	vst v63  }
0x162: {  	_ =	swait.ge [sflag:s24], $0x4000  }
0x163: {  	[sflag:s24] =	ssyncset.done $0x0  }
0x164: {  	[sflag:s24] =	ssyncadd.s32 $0xFFFFC000  }
0x165: {  	[spmem:s4] =	stream.indirect.scatter.add.f32 [tilespmem:s30], [sflag:$0x4], $0x1, s13, s25, $0xb8;
	[tilespmem:$0x1F700] =	vst v63  }
0x166: {  	_ =	swait.ge [sflag:s10], $0x80  }
0x167: {  	[sflag:s10] =	ssyncset.done $0x0  }
0x168: {  	[sflag:s10] =	ssyncadd.s32 $0xFFFFFF80  }
0x169: {  	_ =	swait.ge [sflag:s10], $0x80  }
0x16a: {  	[sflag:s10] =	ssyncset.done $0x0  }
0x16b: {  	[sflag:s10] =	ssyncadd.s32 $0xFFFFFF80  }
0x16c: {  	_ =	swait.ge [sflag:s10], $0x80  }
0x16d: {  	[sflag:s10] =	ssyncset.done $0x0  }
0x16e: {  	[sflag:s10] =	ssyncadd.s32 $0xFFFFFF80  }
0x16f: {  	_ =	swait.ge [sflag:s10], $0x80  }
0x170: {  	[sflag:s10] =	ssyncset.done $0x0  }
0x171: {  	[sflag:s10] =	ssyncadd.s32 $0xFFFFFF80  }
0x172: {  	_ =	swait.ge [sflag:s10], $0x80  }
0x173: {  	[sflag:s10] =	ssyncset.done $0x0  }
0x174: {  	[sflag:s10] =	ssyncadd.s32 $0xFFFFFF80  }
0x175: {  	_ =	swait.ge [sflag:s10], $0x80  }
0x176: {  	[sflag:s10] =	ssyncset.done $0x0  }
0x177: {  	[sflag:s10] =	ssyncadd.s32 $0xFFFFFF80  }
0x178: {  	_ =	swait.ge [sflag:s10], $0x80  }
0x179: {  	[sflag:s10] =	ssyncset.done $0x0  }
0x17a: {  	[sflag:s10] =	ssyncadd.s32 $0xFFFFFF80  }
0x17b: {  	_ =	swait.ge [sflag:s10], $0x80  }
0x17c: {  	[sflag:s10] =	ssyncset.done $0x0  }
0x17d: {  	[sflag:s10] =	ssyncadd.s32 $0xFFFFFF80  }
0x17e: {  	_ =	swait.ge [sflag:s10], $0x80  }
0x17f: {  	[sflag:s10] =	ssyncset.done $0x0  }
0x180: {  	[sflag:s10] =	ssyncadd.s32 $0xFFFFFF80  }
0x181: {  	_ =	swait.ge [sflag:s10], $0x80  }
0x182: {  	[sflag:s10] =	ssyncset.done $0x0  }
0x183: {  	[sflag:s10] =	ssyncadd.s32 $0xFFFFFF80  }
0x184: {  	_ =	swait.ge [sflag:s10], $0x80  }
0x185: {  	[sflag:s10] =	ssyncset.done $0x0  }
0x186: {  	[sflag:s10] =	ssyncadd.s32 $0xFFFFFF80  }
0x187: {  	_ =	swait.ge [sflag:s10], $0x80  }
0x188: {  	[sflag:s10] =	ssyncset.done $0x0  }
0x189: {  	[sflag:s10] =	ssyncadd.s32 $0xFFFFFF80  }
0x18a: {  	_ =	swait.ge [sflag:s10], $0x80  }
0x18b: {  	[sflag:s10] =	ssyncset.done $0x0  }
0x18c: {  	[sflag:s10] =	ssyncadd.s32 $0xFFFFFF80  }
0x18d: {  	_ =	swait.ge [sflag:s10], $0x80  }
0x18e: {  	[sflag:s10] =	ssyncset.done $0x0  }
0x18f: {  	[sflag:s10] =	ssyncadd.s32 $0xFFFFFF80  }
0x190: {  	_ =	swait.ge [sflag:s10], $0x80  }
0x191: {  	[sflag:s10] =	ssyncset.done $0x0  }
0x192: {  	[sflag:s10] =	ssyncadd.s32 $0xFFFFFF80  }
0x193: {  	_ =	swait.ge [sflag:s10], $0x80  }
0x194: {  	[sflag:s10] =	ssyncset.done $0x0  }
0x195: {  	[sflag:s10] =	ssyncadd.s32 $0xFFFFFF80  }
0x196: {  	_ =	swait.ge [sflag:s10], $0x80  }
0x197: {  	[sflag:s10] =	ssyncset.done $0x0  }
0x198: {  	[sflag:s10] =	ssyncadd.s32 $0xFFFFFF80  }
0x199: {  	_ =	swait.ge [sflag:s10], $0x80  }
0x19a: {  	[sflag:s10] =	ssyncset.done $0x0  }
0x19b: {  	[sflag:s10] =	ssyncadd.s32 $0xFFFFFF80  }
0x19c: {  	_ =	swait.ge [sflag:s10], $0x80  }
0x19d: {  	[sflag:s10] =	ssyncset.done $0x0  }
0x19e: {  	[sflag:s10] =	ssyncadd.s32 $0xFFFFFF80  }
0x19f: {  	_ =	swait.ge [sflag:s10], $0x80  }
0x1a0: {  	[sflag:s10] =	ssyncset.done $0x0  }
0x1a1: {  	[sflag:s10] =	ssyncadd.s32 $0xFFFFFF80  }
0x1a2: {  	_ =	swait.ge [sflag:s10], $0x80  }
0x1a3: {  	[sflag:s10] =	ssyncset.done $0x0  }
0x1a4: {  	[sflag:s10] =	ssyncadd.s32 $0xFFFFFF80  }
0x1a5: {  	_ =	swait.ge [sflag:s10], $0x80  }
0x1a6: {  	[sflag:s10] =	ssyncset.done $0x0  }
0x1a7: {  	[sflag:s10] =	ssyncadd.s32 $0xFFFFFF80  }
0x1a8: {  	_ =	swait.ge [sflag:s10], $0x80  }
0x1a9: {  	[sflag:s10] =	ssyncset.done $0x0  }
0x1aa: {  	[sflag:s10] =	ssyncadd.s32 $0xFFFFFF80  }
0x1ab: {  	_ =	swait.ge [sflag:s10], $0x80  }
0x1ac: {  	[sflag:s10] =	ssyncset.done $0x0  }
0x1ad: {  	[sflag:s10] =	ssyncadd.s32 $0xFFFFFF80  }
0x1ae: {  	_ =	swait.ge [sflag:s10], $0x80  }
0x1af: {  	[sflag:s10] =	ssyncset.done $0x0  }
0x1b0: {  	[sflag:s10] =	ssyncadd.s32 $0xFFFFFF80  }
0x1b1: {  	_ =	swait.ge [sflag:s10], $0x80  }
0x1b2: {  	[sflag:s10] =	ssyncset.done $0x0  }
0x1b3: {  	[sflag:s10] =	ssyncadd.s32 $0xFFFFFF80  }
0x1b4: {  	_ =	swait.ge [sflag:s11], $0x1A00  }
0x1b5: {  	[sflag:s11] =	ssyncset.done $0x0  }
0x1b6: {  	[sflag:s11] =	ssyncadd.s32 $0xFFFFE600  }
0x1b7: {  	[tilespmem:s23], [sflag:$0x1] =	stream.indirect.gather [hbm4b:s0+s25], $0x80, s5, s25, $0xb8;
	[tilespmem:$0x1F700] =	vst v63  }
0x1b8: {  	s17 =	simm.s32 $0x100  }
0x1b9: {  	[tilespmem:s28], [sflag:$0x2] =	stream.indirect.gather [hbm4b:s0+s25], $0x80, s17, s25, $0xb8;
	[tilespmem:$0x1F700] =	vst v63  }
0x1ba: {  	_ =	swait.ge [sflag:s29], $0x4000  }
0x1bb: {  	[sflag:s29] =	ssyncset.done $0x0  }
0x1bc: {  	s18 =	simm.s32 $0x80;
	[sflag:s29] =	ssyncadd.s32 $0xFFFFC000  }
0x1bd: {  	[spmem:s3] =	stream.indirect.scatter.add.f32 [tilespmem:s23], [sflag:$0x3], $0x80, s18, s25, $0xb8;
	[tilespmem:$0x1F700] =	vst v63  }
0x1be: {  	_ = 	snop  }
0x1bf: {  	[spmem:s4] =	stream.indirect.scatter.add.f32 [tilespmem:s30], [sflag:$0x4], $0x1, s18, s25, $0xb8;
	[tilespmem:$0x1F700] =	vst v63  }
0x1c0: {  	_ =	swait.ge [sflag:s31], $0x4000  }
0x1c1: {  	[sflag:s31] =	ssyncset.done $0x0  }
0x1c2: {  	[sflag:s31] =	ssyncadd.s32 $0xFFFFC000  }
0x1c3: {  	_ =	swait.ge [sflag:s1], $0x4000  }
0x1c4: {  	[sflag:s1] =	ssyncset.done $0x0  }
0x1c5: {  	s26 =	simm.s32 $0x200;
	[sflag:s1] =	ssyncadd.s32 $0xFFFFC000  }
0x1c6: {  	[tilespmem:s23], [sflag:$0x1] =	stream.indirect.gather [hbm4b:s0+s25], $0x80, s26, s25, $0xb8;
	[tilespmem:$0x1F700] =	vst v63  }
0x1c7: {  	s16 =	simm.s32 $0x180  }
0x1c8: {  	[spmem:s3] =	stream.indirect.scatter.add.f32 [tilespmem:s28], [sflag:$0x6], $0x80, s16, s25, $0xb8;
	[tilespmem:$0x1F700] =	vst v63  }
0x1c9: {  	_ =	swait.ge [sflag:s24], $0x4000  }
0x1ca: {  	[sflag:s24] =	ssyncset.done $0x0  }
0x1cb: {  	s15 =	simm.s32 $0xFFFFEA00;
	s17 =	simm.s32 $0xFFFFB000;
	[sflag:s24] =	ssyncadd.s32 $0xFFFFC000  }
.LBB2_8:
0x1cc: {  	[spmem:s4] =	stream.indirect.scatter.add.f32 [tilespmem:s30], [sflag:$0x4], $0x1, s16, s25, $0xb8;
	[tilespmem:$0x1F700] =	vst v63  }
0x1cd: {  	s16 =	smov.u32 s17  }
0x1ce: {  	s26 =	sadd.s32 $0x800, s17;
	s18 =	sshra.s32 s16, $0x2;
	s16 =	sadd.s32 $0x1900, s15  }
0x1cf: {  	[tilespmem:s28], [sflag:$0x2] =	stream.indirect.gather [hbm4b:s0+s25], $0x80, s16, s25, $0xb8;
	[tilespmem:$0x1F700] =	vst v63  }
0x1d0: {  	p1 =	sne.s32 s17, $0xFFFFF800;
	_ =	swait.ge [sflag:s29], $0x4000  }
0x1d1: {  	[sflag:s29] =	ssyncset.done $0x0  }
0x1d2: {  	s16 =	sadd.s32 $0x1880, s15;
	[sflag:s29] =	ssyncadd.s32 $0xFFFFC000  }
0x1d3: {  	[spmem:s3] =	stream.indirect.scatter.add.f32 [tilespmem:s23], [sflag:$0x3], $0x80, s16, s25, $0xb8;
	[tilespmem:$0x1F700] =	vst v63  }
0x1d4: {  	_ = 	snop  }
0x1d5: {  	[spmem:s4] =	stream.indirect.scatter.add.f32 [tilespmem:s30], [sflag:$0x4], $0x1, s16, s25, $0xb8;
	[tilespmem:$0x1F700] =	vst v63  }
0x1d6: {  	_ =	swait.ge [sflag:s31], $0x4000  }
0x1d7: {  	[sflag:s31] =	ssyncset.done $0x0  }
0x1d8: {  	[sflag:s31] =	ssyncadd.s32 $0xFFFFC000  }
0x1d9: {  	_ =	swait.ge [sflag:s1], $0x4000  }
0x1da: {  	[sflag:s1] =	ssyncset.done $0x0  }
0x1db: {  	s16 =	sadd.s32 $0x1A00, s15;
	[sflag:s1] =	ssyncadd.s32 $0xFFFFC000  }
0x1dc: {  	[tilespmem:s23], [sflag:$0x1] =	stream.indirect.gather [hbm4b:s0+s25], $0x80, s16, s25, $0xb8;
	[tilespmem:$0x1F700] =	vst v63  }
.Ltmp3:
0x1dd: {  	s16 =	sadd.s32 $0x1980, s15;
	s15 =	smov.u32 s18;
	(pc) =	sbr.rel @p1 .LBB2_8-.Ltmp3, $4  }
0x1de: {  	[spmem:s3] =	stream.indirect.scatter.add.f32 [tilespmem:s28], [sflag:$0x6], $0x80, s16, s25, $0xb8;
	[tilespmem:$0x1F700] =	vst v63  }
0x1df: {  	_ =	swait.ge [sflag:s24], $0x4000  }
0x1e0: {  	[sflag:s24] =	ssyncset.done $0x0  }
0x1e1: {  	s17 =	smov.u32 s26;
	[sflag:s24] =	ssyncadd.s32 $0xFFFFC000  }
0x1e2: {  	[spmem:s4] =	stream.indirect.scatter.add.f32 [tilespmem:s30], [sflag:$0x4], $0x1, s16, s25, $0xb8;
	[tilespmem:$0x1F700] =	vst v63  }
0x1e3: {  	s17 =	sadd.s32 $0x1900, s15  }
0x1e4: {  	[tilespmem:s28], [sflag:$0x2] =	stream.indirect.gather [hbm4b:s0+s25], $0x80, s17, s25, $0xb8;
	[tilespmem:$0x1F700] =	vst v63  }
0x1e5: {  	_ =	swait.ge [sflag:s29], $0x4000  }
0x1e6: {  	[sflag:s29] =	ssyncset.done $0x0  }
0x1e7: {  	s18 =	sadd.s32 $0x1880, s15;
	[sflag:s29] =	ssyncadd.s32 $0xFFFFC000  }
0x1e8: {  	[spmem:s3] =	stream.indirect.scatter.add.f32 [tilespmem:s23], [sflag:$0x3], $0x80, s18, s25, $0xb8;
	[tilespmem:$0x1F700] =	vst v63  }
0x1e9: {  	_ = 	snop  }
0x1ea: {  	[spmem:s4] =	stream.indirect.scatter.add.f32 [tilespmem:s30], [sflag:$0x4], $0x1, s18, s25, $0xb8;
	[tilespmem:$0x1F700] =	vst v63  }
0x1eb: {  	_ =	swait.ge [sflag:s31], $0x4000  }
0x1ec: {  	[sflag:s31] =	ssyncset.done $0x0  }
0x1ed: {  	[sflag:s31] =	ssyncadd.s32 $0xFFFFC000  }
0x1ee: {  	_ =	swait.ge [sflag:s1], $0x4000  }
0x1ef: {  	[sflag:s1] =	ssyncset.done $0x0  }
0x1f0: {  	s26 =	sadd.s32 $0x1A00, s15;
	[sflag:s1] =	ssyncadd.s32 $0xFFFFC000  }
0x1f1: {  	[tilespmem:s23], [sflag:$0x1] =	stream.indirect.gather [hbm4b:s0+s25], $0x80, s26, s25, $0xb8;
	[tilespmem:$0x1F700] =	vst v63  }
0x1f2: {  	s17 =	sadd.s32 $0x1980, s15  }
0x1f3: {  	[spmem:s3] =	stream.indirect.scatter.add.f32 [tilespmem:s28], [sflag:$0x6], $0x80, s17, s25, $0xb8;
	[tilespmem:$0x1F700] =	vst v63  }
0x1f4: {  	_ =	swait.ge [sflag:s24], $0x4000  }
0x1f5: {  	[sflag:s24] =	ssyncset.done $0x0  }
0x1f6: {  	[sflag:s24] =	ssyncadd.s32 $0xFFFFC000  }
0x1f7: {  	[spmem:s4] =	stream.indirect.scatter.add.f32 [tilespmem:s30], [sflag:$0x4], $0x1, s17, s25, $0xb8;
	[tilespmem:$0x1F700] =	vst v63  }
0x1f8: {  	_ = 	snop  }
0x1f9: {  	[tilespmem:s28], [sflag:$0x2] =	stream.indirect.gather [hbm4b:s0+s25], $0x80, s2, s25, $0xb8;
	[tilespmem:$0x1F700] =	vst v63  }
0x1fa: {  	_ =	swait.ge [sflag:s29], $0x4000  }
0x1fb: {  	[sflag:s29] =	ssyncset.done $0x0  }
0x1fc: {  	[sflag:s29] =	ssyncadd.s32 $0xFFFFC000  }
0x1fd: {  	[spmem:s3] =	stream.indirect.scatter.add.f32 [tilespmem:s23], [sflag:$0x3], $0x80, s8, s25, $0xb8;
	[tilespmem:$0x1F700] =	vst v63  }
0x1fe: {  	_ = 	snop  }
0x1ff: {  	[spmem:s4] =	stream.indirect.scatter.add.f32 [tilespmem:s30], [sflag:$0x4], $0x1, s8, s25, $0xb8;
	[tilespmem:$0x1F700] =	vst v63  }
0x200: {  	_ =	swait.ge [sflag:s31], $0x4000  }
0x201: {  	[sflag:s31] =	ssyncset.done $0x0  }
0x202: {  	[sflag:s31] =	ssyncadd.s32 $0xFFFFC000  }
0x203: {  	_ =	swait.ge [sflag:s1], $0x4000  }
0x204: {  	[sflag:s1] =	ssyncset.done $0x0  }
0x205: {  	[sflag:s1] =	ssyncadd.s32 $0xFFFFC000  }
0x206: {  	[spmem:s3] =	stream.indirect.scatter.add.f32 [tilespmem:s28], [sflag:$0x6], $0x80, s9, s25, $0xb8;
	[tilespmem:$0x1F700] =	vst v63  }
0x207: {  	_ =	swait.ge [sflag:s24], $0x4000  }
0x208: {  	[sflag:s24] =	ssyncset.done $0x0  }
0x209: {  	[sflag:s24] =	ssyncadd.s32 $0xFFFFC000  }
0x20a: {  	[spmem:s4] =	stream.indirect.scatter.add.f32 [tilespmem:s30], [sflag:$0x4], $0x1, s9, s25, $0xb8;
	[tilespmem:$0x1F700] =	vst v63  }
0x20b: {  	_ =	swait.ge [sflag:s10], $0x80  }
0x20c: {  	[sflag:s10] =	ssyncset.done $0x0  }
0x20d: {  	[sflag:s10] =	ssyncadd.s32 $0xFFFFFF80  }
0x20e: {  	_ =	swait.ge [sflag:s10], $0x80  }
0x20f: {  	[sflag:s10] =	ssyncset.done $0x0  }
0x210: {  	[sflag:s10] =	ssyncadd.s32 $0xFFFFFF80  }
0x211: {  	_ =	swait.ge [sflag:s10], $0x80  }
0x212: {  	[sflag:s10] =	ssyncset.done $0x0  }
0x213: {  	[sflag:s10] =	ssyncadd.s32 $0xFFFFFF80  }
0x214: {  	_ =	swait.ge [sflag:s10], $0x80  }
0x215: {  	[sflag:s10] =	ssyncset.done $0x0  }
0x216: {  	[sflag:s10] =	ssyncadd.s32 $0xFFFFFF80  }
0x217: {  	_ =	swait.ge [sflag:s10], $0x80  }
0x218: {  	[sflag:s10] =	ssyncset.done $0x0  }
0x219: {  	[sflag:s10] =	ssyncadd.s32 $0xFFFFFF80  }
0x21a: {  	_ =	swait.ge [sflag:s10], $0x80  }
0x21b: {  	[sflag:s10] =	ssyncset.done $0x0  }
0x21c: {  	[sflag:s10] =	ssyncadd.s32 $0xFFFFFF80  }
0x21d: {  	_ =	swait.ge [sflag:s10], $0x80  }
0x21e: {  	[sflag:s10] =	ssyncset.done $0x0  }
0x21f: {  	[sflag:s10] =	ssyncadd.s32 $0xFFFFFF80  }
0x220: {  	_ =	swait.ge [sflag:s10], $0x80  }
0x221: {  	[sflag:s10] =	ssyncset.done $0x0  }
0x222: {  	[sflag:s10] =	ssyncadd.s32 $0xFFFFFF80  }
0x223: {  	_ =	swait.ge [sflag:s10], $0x80  }
0x224: {  	[sflag:s10] =	ssyncset.done $0x0  }
0x225: {  	[sflag:s10] =	ssyncadd.s32 $0xFFFFFF80  }
0x226: {  	_ =	swait.ge [sflag:s10], $0x80  }
0x227: {  	[sflag:s10] =	ssyncset.done $0x0  }
0x228: {  	[sflag:s10] =	ssyncadd.s32 $0xFFFFFF80  }
0x229: {  	_ =	swait.ge [sflag:s10], $0x80  }
0x22a: {  	[sflag:s10] =	ssyncset.done $0x0  }
0x22b: {  	[sflag:s10] =	ssyncadd.s32 $0xFFFFFF80  }
0x22c: {  	_ =	swait.ge [sflag:s10], $0x80  }
0x22d: {  	[sflag:s10] =	ssyncset.done $0x0  }
0x22e: {  	[sflag:s10] =	ssyncadd.s32 $0xFFFFFF80  }
0x22f: {  	_ =	swait.ge [sflag:s10], $0x80  }
0x230: {  	[sflag:s10] =	ssyncset.done $0x0  }
0x231: {  	[sflag:s10] =	ssyncadd.s32 $0xFFFFFF80  }
0x232: {  	_ =	swait.ge [sflag:s10], $0x80  }
0x233: {  	[sflag:s10] =	ssyncset.done $0x0  }
0x234: {  	[sflag:s10] =	ssyncadd.s32 $0xFFFFFF80  }
0x235: {  	_ =	swait.ge [sflag:s10], $0x80  }
0x236: {  	[sflag:s10] =	ssyncset.done $0x0  }
0x237: {  	[sflag:s10] =	ssyncadd.s32 $0xFFFFFF80  }
0x238: {  	_ =	swait.ge [sflag:s10], $0x80  }
0x239: {  	[sflag:s10] =	ssyncset.done $0x0  }
0x23a: {  	[sflag:s10] =	ssyncadd.s32 $0xFFFFFF80  }
0x23b: {  	_ =	swait.ge [sflag:s10], $0x80  }
0x23c: {  	[sflag:s10] =	ssyncset.done $0x0  }
0x23d: {  	[sflag:s10] =	ssyncadd.s32 $0xFFFFFF80  }
0x23e: {  	_ =	swait.ge [sflag:s10], $0x80  }
0x23f: {  	[sflag:s10] =	ssyncset.done $0x0  }
0x240: {  	[sflag:s10] =	ssyncadd.s32 $0xFFFFFF80  }
0x241: {  	_ =	swait.ge [sflag:s10], $0x80  }
0x242: {  	[sflag:s10] =	ssyncset.done $0x0  }
0x243: {  	[sflag:s10] =	ssyncadd.s32 $0xFFFFFF80  }
0x244: {  	_ =	swait.ge [sflag:s10], $0x80  }
0x245: {  	[sflag:s10] =	ssyncset.done $0x0  }
0x246: {  	[sflag:s10] =	ssyncadd.s32 $0xFFFFFF80  }
0x247: {  	_ =	swait.ge [sflag:s10], $0x80  }
0x248: {  	[sflag:s10] =	ssyncset.done $0x0  }
0x249: {  	[sflag:s10] =	ssyncadd.s32 $0xFFFFFF80  }
0x24a: {  	_ =	swait.ge [sflag:s10], $0x80  }
0x24b: {  	[sflag:s10] =	ssyncset.done $0x0  }
0x24c: {  	[sflag:s10] =	ssyncadd.s32 $0xFFFFFF80  }
0x24d: {  	_ =	swait.ge [sflag:s10], $0x80  }
0x24e: {  	[sflag:s10] =	ssyncset.done $0x0  }
0x24f: {  	[sflag:s10] =	ssyncadd.s32 $0xFFFFFF80  }
0x250: {  	_ =	swait.ge [sflag:s10], $0x80  }
0x251: {  	[sflag:s10] =	ssyncset.done $0x0  }
0x252: {  	[sflag:s10] =	ssyncadd.s32 $0xFFFFFF80  }
0x253: {  	_ =	swait.ge [sflag:s10], $0x80  }
0x254: {  	[sflag:s10] =	ssyncset.done $0x0  }
0x255: {  	[sflag:s10] =	ssyncadd.s32 $0xFFFFFF80  }
0x256: {  	_ =	swait.ge [sflag:s10], $0x80  }
0x257: {  	[sflag:s10] =	ssyncset.done $0x0  }
0x258: {  	s16 =	simm.s32 @!p0 $0x6;
	s15 =	simm.s32 @!p0 $0x0;
	[sflag:s10] =	ssyncadd.s32 $0xFFFFFF80  }
0x259: {  	[tilespmem:s15], [sflag:$0x6] =	stream.linear.gather @!p0 [hbm4b:s19+s15], $0x100, $0x38;
	[tilespmem:$0x1F700] =	vst v63  }
0x25a: {  	_ =	swait.ge @!p0 [sflag:s16], $0x100  }
0x25b: {  	[sflag:s16] =	ssyncset.done @!p0 $0x0  }
0x25c: {  	s18 =	simm.s32 @!p0 $0x3400;
	s17 =	simm.s32 @!p0 $0x80;
	[sflag:s16] =	ssyncadd.s32 @!p0 $0xFFFFFF00  }
0x25d: {  	[tilespmem:s18], [sflag:$0x1] =	stream.indirect.gather @!p0 [hbm4b:s0+s17], $0x80, s15, s17, $0xb8;
	[tilespmem:$0x1F700] =	vst v63  }
0x25e: {  	s15 =	simm.s32 @!p0 $0x1  }
0x25f: {  	_ =	swait.ge @!p0 [sflag:s15], $0x4000  }
0x260: {  	[sflag:s15] =	ssyncset.done @!p0 $0x0  }
0x261: {  	[sflag:s15] =	ssyncadd.s32 @!p0 $0xFFFFC000  }
0x262: {  	[spmem:s3] =	stream.indirect.scatter.add.f32 @!p0 [tilespmem:s18], [sflag:$0x6], $0x80, s17, s17, $0xb8;
	[tilespmem:$0x1F700] =	vst v63  }
0x263: {  	_ =	swait.ge @!p0 [sflag:s16], $0x4000  }
0x264: {  	[sflag:s16] =	ssyncset.done @!p0 $0x0  }
0x265: {  	s15 =	simm.s32 @!p0 $0xB400;
	[sflag:s16] =	ssyncadd.s32 @!p0 $0xFFFFC000  }
0x266: {  	[spmem:s4] =	stream.indirect.scatter.add.f32 @!p0 [tilespmem:s15], [sflag:$0x6], $0x1, s17, s17, $0xb8;
	[tilespmem:$0x1F700] =	vst v63  }
0x267: {  	_ =	swait.ge @!p0 [sflag:s16], $0x80  }
0x268: {  	s18 =	stileid.u32;
	[sflag:s16] =	ssyncset.done @!p0 $0x0  }
0x269: {  	s14 =	sadd.s32 $0x1, s14;
	s15 =	sshll.u32 s18, $0x6;
	[sflag:s16] =	ssyncadd.s32 @!p0 $0xFFFFFF80  }
0x26a: {  	s26 =	sshrl.u32 s6, $0x3;
	s15 =	sor.u32 $0x1C06, s15;
	[bflag:$0x0] =	sbarrier.arrive $0xFFFF  }
0x26b: {  	[hbm:s20], [sflag:s15] =	dma.local [spmem:s26], $0x2800  }
0x26c: {  	p1 =	sne.s32 s14, s22;
	_ =	swait.ge [sflag:s24], $0x2800  }
0x26d: {  	s17 =	sshrl.u32 s7, $0x3;
	s18 =	simm.s32 $0x20;
	[sflag:s24] =	ssyncset.done $0x0  }
.Ltmp4:
0x26e: {  	s26 =	simm.s32 $0x10;
	[sflag:s24] =	ssyncadd.s32 $0xFFFFD800;
	(pc) =	sbr.rel @p1 .LBB2_1-.Ltmp4, $4  }
0x26f: {  	[hbm:s21@s18], [sflag:s15] =	dma.strided [spmem:s17@s26], $0x50, s29, $0x10   }
0x270: {  	_ =	swait.ge [sflag:s24], $0x50  }
0x271: {  	[sflag:s24] =	ssyncset.done $0x0  }
0x272: {  	[sflag:s24] =	ssyncadd.s32 $0xFFFFFFB0  }
0x273: {  	_ =	sfence.sel $0x180000  }
0x274: {  	[bflag:$0x0] =	sbarrier.arrive $0xFFFF  }
0x275: {  	_ =	strace $0x90000047  }
0x276: {  	s0 =	stileid.u32;
	[bflag:$0x2] =	sbarrier.arrive $0xFFFF  }
0x277: {  	p0 =	sne.s32 s0, $0x0;
	s0 =	rddreg [dreg:$0x6]  }
0x278: {  	s0 =	sadd.s32 @!p0 $0x100000, s0  }
0x279: {  	[sflag:s0] =	ssyncadd.tile.s32 @!p0 $0x1;
	_ =	shalt  }
.Lfunc_end2:
_tile_overlayer_lowered:
.L_overlay_start_2:
0x27a: {  	(tag) =	ssettag $0x2  }
0x27b: {  	s0 =	rddreg [dreg:$0x0];
	s2 =	stileid.u32  }
0x27c: {  	s1 =	rddreg [dreg:$0x1];
	p0 =	sne.s32 s2, $0x0  }
0x27d: {  	s3 =	rddreg [dreg:$0x2];
	[bflag:$0x3] =	sbarrier.arrive $0xFFFF;
	s2 =	simm.s32 @!p0 $0x1C06  }
0x27e: {  	[timem:s3], [sflag:s2] =	dma.local @!p0 [hbm:s0], s1  }
0x27f: {  	s0 =	simm.s32 @!p0 $0x6  }
0x280: {  	_ =	swait.ge @!p0 [sflag:s0], s1  }
0x281: {  	s1 =	ssub.s32 @!p0 $0x0, s1;
	[sflag:s0] =	ssyncset.done @!p0 $0x0  }
0x282: {  	[sflag:s0] =	ssyncadd.s32 @!p0 s1  }
0x283: {  	[bflag:$0x3] =	sbarrier.arrive $0xFFFF  }
0x284: {  	_ =	shalt  }

</sc_bundles>
